<compile_context>
chip_gen: v7x
topology: tpu7x:2x2x1
jax: 0.10.2.dev20260603
libtpu: 0.0.44.dev20260713+nightly
codegen_flags: <defaults>
</compile_context>

<pallas_src>
import functools

import jax
import jax.numpy as jnp
from jax import lax
from jax.experimental import pallas as pl
from jax.experimental.pallas import tpu as pltpu
from jax.experimental.pallas import tpu_sc as plsc

CHUNK = 128
GROUP = 16
ROWB = 512


def _deg_kernel(n_pad, cpt, nc, ns):
    mesh = plsc.VectorSubcoreMesh(core_axis_name="c", subcore_axis_name="s")
    nw = nc * ns
    ept = cpt * CHUNK

    @functools.partial(
        pl.kernel,
        mesh=mesh,
        out_type=jax.ShapeDtypeStruct((nw, n_pad), jnp.float32),
        compiler_params=pltpu.CompilerParams(needs_layout_passes=False),
        scratch_types=[
            pltpu.VMEM((ept,), jnp.int32),
            pltpu.VMEM((n_pad,), jnp.float32),
        ],
    )
    def k(dst_hbm, out_hbm, dstv, degv):
        cid = lax.axis_index("c")
        sid = lax.axis_index("s")
        wid = sid * nc + cid
        pltpu.sync_copy(dst_hbm.at[pl.ds(wid * ept, ept)], dstv)

        def z(i, c):
            degv[pl.ds(i * 16, 16)] = jnp.zeros((16,), jnp.float32)
            return c

        lax.fori_loop(0, n_pad // 16, z, 0)
        ones = jnp.ones((16,), jnp.float32)

        def step(j, c):
            idx = dstv[pl.ds(j * 16, 16)]
            plsc.addupdate_scatter(degv, [idx], ones)
            return c

        lax.fori_loop(0, ept // 16, step, 0)
        pltpu.sync_copy(degv, out_hbm.at[wid])

    return k


def _scatter_kernel(n_pad, n_chunks, cpt, nc, ns, rps, d):
    mesh = plsc.VectorSubcoreMesh(core_axis_name="c", subcore_axis_name="s")
    zsrc = n_pad - CHUNK

    @functools.partial(
        pl.kernel,
        mesh=mesh,
        out_type=jax.ShapeDtypeStruct((nc, n_pad, d), jnp.float32),
        scratch_types=[
            pltpu.VMEM((GROUP, CHUNK), jnp.int32),
            pltpu.VMEM((cpt, CHUNK), jnp.int32),
            pltpu.VMEM((CHUNK, d), jnp.float32),
            pltpu.VMEM((CHUNK, d), jnp.float32),
            pltpu.VMEM_SHARED((n_pad, d), jnp.float32),
            pltpu.SemaphoreType.DMA,
            pltpu.SemaphoreType.DMA,
            pltpu.SemaphoreType.DMA,
            pltpu.SemaphoreType.DMA,
        ],
    )
    def k(g_hbm, src_hbm, dst_hbm, out_hbm, srcg, dstv, rows0, rows1, acc,
          gsem0, gsem1, ssem0, ssem1):
        cid = lax.axis_index("c")
        sid = lax.axis_index("s")
        wid = sid * nc + cid
        pltpu.sync_copy(dst_hbm.at[pl.ds(wid * cpt, cpt)], dstv)
        for t in range(rps // CHUNK):
            pltpu.sync_copy(g_hbm.at[pl.ds(zsrc, CHUNK)],
                            acc.at[pl.ds(sid * rps + t * CHUNK, CHUNK)])
        plsc.subcore_barrier()

        def wait_scatter(rows, sem):
            pltpu.make_async_copy(rows, acc.at[dstv.at[0]], sem).wait()

        def wait_gather(idx, rows, sem):
            pltpu.make_async_copy(g_hbm.at[idx], rows, sem).wait()

        def group(gi, carry):
            base = gi * GROUP
            pltpu.sync_copy(src_hbm.at[pl.ds(wid * cpt + base, GROUP)], srcg)

            @pl.when(gi > 0)
            def _():
                wait_scatter(rows0, ssem0)

            pltpu.async_copy(g_hbm.at[srcg.at[0]], rows0, gsem0)

            def step2(i, c):
                l = i * 2
                j = base + l

                @pl.when(gi + i > 0)
                def _():
                    wait_scatter(rows1, ssem1)

                pltpu.async_copy(g_hbm.at[srcg.at[l + 1]], rows1, gsem1)
                wait_gather(srcg.at[l], rows0, gsem0)
                pltpu.async_copy(rows0, acc.at[dstv.at[j]], ssem0, add=True)

                @pl.when(l + 2 < GROUP)
                def _():
                    wait_scatter(rows0, ssem0)
                    pltpu.async_copy(g_hbm.at[srcg.at[l + 2]], rows0, gsem0)

                wait_gather(srcg.at[l + 1], rows1, gsem1)
                pltpu.async_copy(rows1, acc.at[dstv.at[j + 1]], ssem1,
                                 add=True)
                return c

            lax.fori_loop(0, GROUP // 2, step2, 0)
            return carry

        lax.fori_loop(0, cpt // GROUP, group, 0)
        wait_scatter(rows0, ssem0)
        wait_scatter(rows1, ssem1)
        plsc.subcore_barrier()
        pltpu.sync_copy(acc.at[pl.ds(sid * rps, rps)],
                        out_hbm.at[cid, pl.ds(sid * rps, rps)])

    return k


def _linear_norm(x, W, deg_parts, n, n_pad, d):
    def body(xb, wb, degb, gb, dinvb):
        deg = jnp.sum(degb[...], axis=0) + 1.0
        dinv = lax.rsqrt(deg).reshape(ROWB, 1)
        rows = (pl.program_id(0) * ROWB
                + lax.broadcasted_iota(jnp.int32, (ROWB, 1), 0))
        h = jnp.dot(xb[...], wb[...], preferred_element_type=jnp.float32)
        gb[...] = jnp.where(rows < n, h * dinv, 0.0)
        dinvb[...] = dinv

    nblk = n_pad // ROWB
    return pl.pallas_call(
        body,
        grid=(nblk,),
        in_specs=[
            pl.BlockSpec((ROWB, d), lambda i: (i, 0)),
            pl.BlockSpec((d, d), lambda i: (0, 0)),
            pl.BlockSpec((deg_parts.shape[0], ROWB), lambda i: (0, i)),
        ],
        out_specs=[
            pl.BlockSpec((ROWB, d), lambda i: (i, 0)),
            pl.BlockSpec((ROWB, 1), lambda i: (i, 0)),
        ],
        out_shape=[
            jax.ShapeDtypeStruct((n_pad, d), jnp.float32),
            jax.ShapeDtypeStruct((n_pad, 1), jnp.float32),
        ],
    )(x, W, deg_parts)


def _combine(s_parts, g, dinv, b2d, n, n_pad, d):
    def body(sb, gb, dinvb, bb, ob):
        s = sb[0] + sb[1]
        ob[...] = jnp.maximum((s + gb[...]) * dinvb[...] + bb[...], 0.0)

    nblk = n_pad // ROWB
    return pl.pallas_call(
        body,
        grid=(nblk,),
        in_specs=[
            pl.BlockSpec((s_parts.shape[0], ROWB, d), lambda i: (0, i, 0)),
            pl.BlockSpec((ROWB, d), lambda i: (i, 0)),
            pl.BlockSpec((ROWB, 1), lambda i: (i, 0)),
            pl.BlockSpec((1, d), lambda i: (0, 0)),
        ],
        out_specs=pl.BlockSpec((ROWB, d), lambda i: (i, 0)),
        out_shape=jax.ShapeDtypeStruct((n, d), jnp.float32),
    )(s_parts, g, dinv, b2d)


def kernel(x, edge_index, W, b):
    n, d = x.shape
    e = edge_index.shape[1]

    info = plsc.get_sparse_core_info()
    nc, ns = info.num_cores, info.num_subcores
    nw = nc * ns

    rows_quantum = ns * CHUNK
    n_pad = ((n + 1 + rows_quantum - 1) // rows_quantum) * rows_quantum
    rps = n_pad // ns

    cpt = (e + nw * CHUNK - 1) // (nw * CHUNK)
    cpt = ((cpt + GROUP - 1) // GROUP) * GROUP
    n_chunks = cpt * nw
    e_pad = n_chunks * CHUNK

    src = edge_index[0].astype(jnp.int32)
    dst = edge_index[1].astype(jnp.int32)
    n_trash = n_pad - n
    pad = jnp.broadcast_to(
        n + jnp.arange(n_trash, dtype=jnp.int32),
        ((e_pad - e + n_trash - 1) // n_trash, n_trash)).reshape(-1)[
            :e_pad - e]
    src2d = jnp.concatenate([src, pad]).reshape(n_chunks, CHUNK)
    dst2d = jnp.concatenate([dst, pad]).reshape(n_chunks, CHUNK)

    dst1d = jnp.concatenate([dst, pad])
    deg_parts = _deg_kernel(n_pad, cpt, nc, ns)(dst1d)

    g, dinv = _linear_norm(x, W, deg_parts, n, n_pad, d)

    s_parts = _scatter_kernel(n_pad, n_chunks, cpt, nc, ns, rps, d)(
        g, src2d, dst2d)

    return _combine(s_parts, g, dinv, b.reshape(1, d), n, n_pad, d)

# --- scband reference (transcript-rebuilt; emitter-appended) ---
"""Pipeline reference for scband-spatial-graph-convolution-21251498180686 (READ-ONLY COPY).

The authoritative reference and input builder live on the scoring server;
editing this copy changes nothing except your own understanding.
"""

import jax, jax.numpy as jnp
import numpy as np

N_NODES = 10000
D_IN = 128
D_OUT = 128
N_EDGES = 320000


def setup_inputs(seed: int = 0) -> dict:
    key = jax.random.key(seed)
    k1, k2, k3 = jax.random.split(key, 3)
    x = jax.random.normal(k1, (N_NODES, D_IN), dtype=jnp.float32)
    edge_index = jax.random.randint(k2, (2, N_EDGES), 0, N_NODES, dtype=jnp.int32).astype(jnp.int64)
    # GCNConv linear weight (glorot-ish) and bias
    W = jax.random.normal(k3, (D_IN, D_OUT), dtype=jnp.float32) * (1.0 / np.sqrt(D_IN))
    b = jnp.zeros((D_OUT,), dtype=jnp.float32)
    return {"x": x, "edge_index": edge_index, "W": W, "b": b}


def _gcn_layer(x, edge_index, W, b):
    # Faithful PyG GCNConv: add self-loops, symmetric gcn_norm, linear, scatter-add, bias
    n = x.shape[0]
    loop = jnp.arange(n, dtype=edge_index.dtype)
    src = jnp.concatenate([edge_index[0], loop])
    dst = jnp.concatenate([edge_index[1], loop])
    deg = jnp.zeros((n,), dtype=x.dtype).at[dst].add(1.0)
    deg_inv_sqrt = jnp.where(deg > 0, jax.lax.rsqrt(jnp.where(deg > 0, deg, 1.0)), 0.0)
    norm = deg_inv_sqrt[src] * deg_inv_sqrt[dst]
    h = x @ W
    msgs = h[src] * norm[:, None]
    out = jnp.zeros((n, h.shape[1]), dtype=x.dtype).at[dst].add(msgs)
    return out + b


def reference(x, edge_index, W, b):
    # SpatialGraphConvolution.forward, gnn_type='gcn', layer_count=1:
    # x = conv(x, edge_index); x = x.relu()
    h = _gcn_layer(x, edge_index, W, b)
    return jax.nn.relu(h)

if __name__ == "__main__":
    import jax
    _d = setup_inputs()
    print(jax.jit(kernel)(*tuple(_d.values())))

</pallas_src>

<mosaic_0001>
#map = affine_map<(d0, d1) -> (0)>
#map1 = affine_map<(d0, d1) -> (0, 0)>
module attributes {stable_mosaic.version = 14 : i64} {
  func.func @k(%arg0: i32, %arg1: i32, %arg2: memref<327680xi32, #tpu.memory_space<hbm>>, %arg3: memref<32x10240xf32, #tpu.memory_space<hbm>>, %arg4: memref<10240xi32, #tpu.memory_space<vmem>>, %arg5: memref<10240xf32, #tpu.memory_space<vmem>>) attributes {dimension_semantics = [#tpu.dimension_semantics<core_parallel>, #tpu.dimension_semantics<subcore_parallel>], iteration_bounds = array<i64: 2, 16>, scalar_prefetch = 0 : i64, scratch_operands = 2 : i64, tpu.core_type = #tpu.core_type<sc_vector_subcore>, window_params = [{transform_indices = #map}, {transform_indices = #map1}]} {
    %mul3A = arith.constant 2 : i32
    %mul3A_0 = arith.muli %arg1, %mul3A : i32
    %add3A = arith.addi %mul3A_0, %arg0 : i32
    %mul3A_1 = arith.constant 10240 : i32
    %mul3A_2 = arith.muli %add3A, %mul3A_1 : i32
    "tpu.region"() ({
      %run_scoped3A = tpu.sem_alloc : memref<!tpu.dma_semaphore, #tpu.memory_space<semaphore_mem>>
      %dma_start3A = tpu.memref_slice %arg2[%mul3A_2] : memref<327680xi32, #tpu.memory_space<hbm>> -> memref<10240xi32, #tpu.memory_space<hbm>>
      %dma_start3A_15 = tpu.memref_slice %arg2[%mul3A_2] : memref<327680xi32, #tpu.memory_space<hbm>> -> memref<10240xi32, #tpu.memory_space<hbm>>
      tpu.enqueue_dma source(%dma_start3A_15 : memref<10240xi32, #tpu.memory_space<hbm>>) target(%arg4 : memref<10240xi32, #tpu.memory_space<vmem>>) target_semaphore(%run_scoped3A : memref<!tpu.dma_semaphore, #tpu.memory_space<semaphore_mem>>)
      %dma_wait3A = tpu.memref_slice %arg2[%mul3A_2] : memref<327680xi32, #tpu.memory_space<hbm>> -> memref<10240xi32, #tpu.memory_space<hbm>>
      %dma_wait3A_16 = tpu.memref_slice %arg2[%mul3A_2] : memref<327680xi32, #tpu.memory_space<hbm>> -> memref<10240xi32, #tpu.memory_space<hbm>>
      tpu.wait_dma2 semaphore(%run_scoped3A : memref<!tpu.dma_semaphore, #tpu.memory_space<semaphore_mem>>) src(%dma_wait3A_16 : memref<10240xi32, #tpu.memory_space<hbm>>) dst(%arg4 : memref<10240xi32, #tpu.memory_space<vmem>>)
      tpu.yield
    }) : () -> ()
    %scan3A = arith.constant 0 : i32
    %scan3A_3 = arith.constant 0 : i32
    %scan3A_4 = arith.constant 640 : i32
    %scan3A_5 = arith.addi %scan3A_3, %scan3A_4 : i32
    %scan3A_6 = arith.constant 1 : i32
    scf.for %scan3A_15 = %scan3A_3 to %scan3A_5 step %scan3A_6  : i32 {
      %broadcast_in_dim3A_16 = arith.constant 0.000000e+00 : f32
      %broadcast_in_dim3A_17 = vector.broadcast %broadcast_in_dim3A_16 : f32 to vector<16xf32>
      %mul3A_18 = arith.constant 16 : i32
      %mul3A_19 = arith.muli %scan3A_15, %mul3A_18 : i32
      %swap3A = arith.index_cast %mul3A_19 : i32 to index
      %swap3A_20 = tpu.vector_load %arg5[%swap3A] {strides = array<i32>} : memref<10240xf32, #tpu.memory_space<vmem>>, vector<16xf32>,
      tpu.vector_store %arg5[%swap3A], %broadcast_in_dim3A_17 {strides = array<i32>} : memref<10240xf32, #tpu.memory_space<vmem>>, vector<16xf32>,
    }
    %scan3A_7 = arith.constant 640 : i32
    %broadcast_in_dim3A = arith.constant 1.000000e+00 : f32
    %broadcast_in_dim3A_8 = vector.broadcast %broadcast_in_dim3A : f32 to vector<16xf32>
    %scan3A_9 = arith.constant 0 : i32
    %scan3A_10 = arith.constant 0 : i32
    %scan3A_11 = arith.constant 640 : i32
    %scan3A_12 = arith.addi %scan3A_10, %scan3A_11 : i32
    %scan3A_13 = arith.constant 1 : i32
    scf.for %scan3A_15 = %scan3A_10 to %scan3A_12 step %scan3A_13  : i32 {
      %mul3A_16 = arith.constant 16 : i32
      %mul3A_17 = arith.muli %scan3A_15, %mul3A_16 : i32
      %get3A = arith.index_cast %mul3A_17 : i32 to index
      %get3A_18 = tpu.vector_load %arg4[%get3A] {strides = array<i32>} : memref<10240xi32, #tpu.memory_space<vmem>>, vector<16xi32>,
      tpu.vector_store_idx %arg5[%get3A_18], %broadcast_in_dim3A_8 {add = true} : memref<10240xf32, #tpu.memory_space<vmem>>[vector<16xi32>], vector<16xf32>,
    }
    %scan3A_14 = arith.constant 640 : i32
    "tpu.region"() ({
      %run_scoped3A = tpu.sem_alloc : memref<!tpu.dma_semaphore, #tpu.memory_space<semaphore_mem>>
      %dma_start3A = arith.constant 0 : i32
      %dma_start3A_15 = tpu.memref_slice %arg3[%add3A, %dma_start3A] : memref<32x10240xf32, #tpu.memory_space<hbm>> -> memref<1x10240xf32, #tpu.memory_space<hbm>>
      %dma_start3A_16 = tpu.memref_squeeze %dma_start3A_15 : memref<1x10240xf32, #tpu.memory_space<hbm>> -> memref<10240xf32, #tpu.memory_space<hbm>>
      %dma_start3A_17 = arith.constant 0 : i32
      %dma_start3A_18 = tpu.memref_slice %arg3[%add3A, %dma_start3A_17] : memref<32x10240xf32, #tpu.memory_space<hbm>> -> memref<1x10240xf32, #tpu.memory_space<hbm>>
      %dma_start3A_19 = tpu.memref_squeeze %dma_start3A_18 : memref<1x10240xf32, #tpu.memory_space<hbm>> -> memref<10240xf32, #tpu.memory_space<hbm>>
      tpu.enqueue_dma source(%arg5 : memref<10240xf32, #tpu.memory_space<vmem>>) target(%dma_start3A_19 : memref<10240xf32, #tpu.memory_space<hbm>>) target_semaphore(%run_scoped3A : memref<!tpu.dma_semaphore, #tpu.memory_space<semaphore_mem>>)
      %dma_wait3A = arith.constant 0 : i32
      %dma_wait3A_20 = tpu.memref_slice %arg3[%add3A, %dma_wait3A] : memref<32x10240xf32, #tpu.memory_space<hbm>> -> memref<1x10240xf32, #tpu.memory_space<hbm>>
      %dma_wait3A_21 = tpu.memref_squeeze %dma_wait3A_20 : memref<1x10240xf32, #tpu.memory_space<hbm>> -> memref<10240xf32, #tpu.memory_space<hbm>>
      %dma_wait3A_22 = arith.constant 0 : i32
      %dma_wait3A_23 = tpu.memref_slice %arg3[%add3A, %dma_wait3A_22] : memref<32x10240xf32, #tpu.memory_space<hbm>> -> memref<1x10240xf32, #tpu.memory_space<hbm>>
      %dma_wait3A_24 = tpu.memref_squeeze %dma_wait3A_23 : memref<1x10240xf32, #tpu.memory_space<hbm>> -> memref<10240xf32, #tpu.memory_space<hbm>>
      tpu.wait_dma2 semaphore(%run_scoped3A : memref<!tpu.dma_semaphore, #tpu.memory_space<semaphore_mem>>) src(%arg5 : memref<10240xf32, #tpu.memory_space<vmem>>) dst(%dma_wait3A_24 : memref<10240xf32, #tpu.memory_space<hbm>>)
      tpu.yield
    }) : () -> ()
    return
  }
}

#map = affine_map<(d0, d1) -> (0, 0)>
#map1 = affine_map<(d0, d1) -> (0, 0, 0)>
module attributes {stable_mosaic.version = 14 : i64} {
  func.func @k(%arg0: i32, %arg1: i32, %arg2: memref<10240x128xf32, #tpu.memory_space<hbm>>, %arg3: memref<2560x128xi32, #tpu.memory_space<hbm>>, %arg4: memref<2560x128xi32, #tpu.memory_space<hbm>>, %arg5: memref<2x10240x128xf32, #tpu.memory_space<hbm>>, %arg6: memref<16x128xi32, #tpu.memory_space<vmem>>, %arg7: memref<80x128xi32, #tpu.memory_space<vmem>>, %arg8: memref<128x128xf32, #tpu.memory_space<vmem>>, %arg9: memref<128x128xf32, #tpu.memory_space<vmem>>, %arg10: memref<10240x128xf32, #tpu.memory_space<vmem_shared>>, %arg11: memref<!tpu.dma_semaphore, #tpu.memory_space<semaphore_mem>>, %arg12: memref<!tpu.dma_semaphore, #tpu.memory_space<semaphore_mem>>, %arg13: memref<!tpu.dma_semaphore, #tpu.memory_space<semaphore_mem>>, %arg14: memref<!tpu.dma_semaphore, #tpu.memory_space<semaphore_mem>>) attributes {dimension_semantics = [#tpu.dimension_semantics<core_parallel>, #tpu.dimension_semantics<subcore_parallel>], iteration_bounds = array<i64: 2, 16>, scalar_prefetch = 0 : i64, scratch_operands = 9 : i64, tpu.core_type = #tpu.core_type<sc_vector_subcore>, window_params = [{transform_indices = #map}, {transform_indices = #map}, {transform_indices = #map}, {transform_indices = #map1}]} {
    %mul3A = arith.constant 2 : i32
    %mul3A_0 = arith.muli %arg1, %mul3A : i32
    %add3A = arith.addi %mul3A_0, %arg0 : i32
    %mul3A_1 = arith.constant 80 : i32
    %mul3A_2 = arith.muli %add3A, %mul3A_1 : i32
    "tpu.region"() ({
      %run_scoped3A = tpu.sem_alloc : memref<!tpu.dma_semaphore, #tpu.memory_space<semaphore_mem>>
      %dma_start3A = arith.constant 0 : i32
      %dma_start3A_46 = tpu.memref_slice %arg4[%mul3A_2, %dma_start3A] : memref<2560x128xi32, #tpu.memory_space<hbm>> -> memref<80x128xi32, #tpu.memory_space<hbm>>
      %dma_start3A_47 = arith.constant 0 : i32
      %dma_start3A_48 = tpu.memref_slice %arg4[%mul3A_2, %dma_start3A_47] : memref<2560x128xi32, #tpu.memory_space<hbm>> -> memref<80x128xi32, #tpu.memory_space<hbm>>
      tpu.enqueue_dma source(%dma_start3A_48 : memref<80x128xi32, #tpu.memory_space<hbm>>) target(%arg7 : memref<80x128xi32, #tpu.memory_space<vmem>>) target_semaphore(%run_scoped3A : memref<!tpu.dma_semaphore, #tpu.memory_space<semaphore_mem>>)
      %dma_wait3A_49 = arith.constant 0 : i32
      %dma_wait3A_50 = tpu.memref_slice %arg4[%mul3A_2, %dma_wait3A_49] : memref<2560x128xi32, #tpu.memory_space<hbm>> -> memref<80x128xi32, #tpu.memory_space<hbm>>
      %dma_wait3A_51 = arith.constant 0 : i32
      %dma_wait3A_52 = tpu.memref_slice %arg4[%mul3A_2, %dma_wait3A_51] : memref<2560x128xi32, #tpu.memory_space<hbm>> -> memref<80x128xi32, #tpu.memory_space<hbm>>
      tpu.wait_dma2 semaphore(%run_scoped3A : memref<!tpu.dma_semaphore, #tpu.memory_space<semaphore_mem>>) src(%dma_wait3A_52 : memref<80x128xi32, #tpu.memory_space<hbm>>) dst(%arg7 : memref<80x128xi32, #tpu.memory_space<vmem>>)
      tpu.yield
    }) : () -> ()
    %mul3A_3 = arith.constant 640 : i32
    %mul3A_4 = arith.muli %arg1, %mul3A_3 : i32
    %add3A_5 = arith.constant 0 : i32
    %add3A_6 = arith.addi %mul3A_4, %add3A_5 : i32
    "tpu.region"() ({
      %run_scoped3A = tpu.sem_alloc : memref<!tpu.dma_semaphore, #tpu.memory_space<semaphore_mem>>
      %dma_start3A = arith.constant 0 : i32
      %dma_start3A_46 = tpu.memref_slice %arg10[%add3A_6, %dma_start3A] : memref<10240x128xf32, #tpu.memory_space<vmem_shared>> -> memref<128x128xf32, #tpu.memory_space<vmem_shared>>
      %dma_start3A_47 = arith.constant 10112 : i32
      %dma_start3A_48 = arith.constant 0 : i32
      %dma_start3A_49 = tpu.memref_slice %arg2[%dma_start3A_47, %dma_start3A_48] : memref<10240x128xf32, #tpu.memory_space<hbm>> -> memref<128x128xf32, #tpu.memory_space<hbm>>
      tpu.enqueue_dma source(%dma_start3A_49 : memref<128x128xf32, #tpu.memory_space<hbm>>) target(%dma_start3A_46 : memref<128x128xf32, #tpu.memory_space<vmem_shared>>) target_semaphore(%run_scoped3A : memref<!tpu.dma_semaphore, #tpu.memory_space<semaphore_mem>>)
      %dma_wait3A_50 = arith.constant 0 : i32
      %dma_wait3A_51 = tpu.memref_slice %arg10[%add3A_6, %dma_wait3A_50] : memref<10240x128xf32, #tpu.memory_space<vmem_shared>> -> memref<128x128xf32, #tpu.memory_space<vmem_shared>>
      %dma_wait3A_52 = arith.constant 10112 : i32
      %dma_wait3A_53 = arith.constant 0 : i32
      %dma_wait3A_54 = tpu.memref_slice %arg2[%dma_wait3A_52, %dma_wait3A_53] : memref<10240x128xf32, #tpu.memory_space<hbm>> -> memref<128x128xf32, #tpu.memory_space<hbm>>
      tpu.wait_dma2 semaphore(%run_scoped3A : memref<!tpu.dma_semaphore, #tpu.memory_space<semaphore_mem>>) src(%dma_wait3A_54 : memref<128x128xf32, #tpu.memory_space<hbm>>) dst(%dma_wait3A_51 : memref<128x128xf32, #tpu.memory_space<vmem_shared>>)
      tpu.yield
    }) : () -> ()
    %mul3A_7 = arith.constant 640 : i32
    %mul3A_8 = arith.muli %arg1, %mul3A_7 : i32
    %add3A_9 = arith.constant 128 : i32
    %add3A_10 = arith.addi %mul3A_8, %add3A_9 : i32
    "tpu.region"() ({
      %run_scoped3A = tpu.sem_alloc : memref<!tpu.dma_semaphore, #tpu.memory_space<semaphore_mem>>
      %dma_start3A = arith.constant 0 : i32
      %dma_start3A_46 = tpu.memref_slice %arg10[%add3A_10, %dma_start3A] : memref<10240x128xf32, #tpu.memory_space<vmem_shared>> -> memref<128x128xf32, #tpu.memory_space<vmem_shared>>
      %dma_start3A_47 = arith.constant 10112 : i32
      %dma_start3A_48 = arith.constant 0 : i32
      %dma_start3A_49 = tpu.memref_slice %arg2[%dma_start3A_47, %dma_start3A_48] : memref<10240x128xf32, #tpu.memory_space<hbm>> -> memref<128x128xf32, #tpu.memory_space<hbm>>
      tpu.enqueue_dma source(%dma_start3A_49 : memref<128x128xf32, #tpu.memory_space<hbm>>) target(%dma_start3A_46 : memref<128x128xf32, #tpu.memory_space<vmem_shared>>) target_semaphore(%run_scoped3A : memref<!tpu.dma_semaphore, #tpu.memory_space<semaphore_mem>>)
      %dma_wait3A_50 = arith.constant 0 : i32
      %dma_wait3A_51 = tpu.memref_slice %arg10[%add3A_10, %dma_wait3A_50] : memref<10240x128xf32, #tpu.memory_space<vmem_shared>> -> memref<128x128xf32, #tpu.memory_space<vmem_shared>>
      %dma_wait3A_52 = arith.constant 10112 : i32
      %dma_wait3A_53 = arith.constant 0 : i32
      %dma_wait3A_54 = tpu.memref_slice %arg2[%dma_wait3A_52, %dma_wait3A_53] : memref<10240x128xf32, #tpu.memory_space<hbm>> -> memref<128x128xf32, #tpu.memory_space<hbm>>
      tpu.wait_dma2 semaphore(%run_scoped3A : memref<!tpu.dma_semaphore, #tpu.memory_space<semaphore_mem>>) src(%dma_wait3A_54 : memref<128x128xf32, #tpu.memory_space<hbm>>) dst(%dma_wait3A_51 : memref<128x128xf32, #tpu.memory_space<vmem_shared>>)
      tpu.yield
    }) : () -> ()
    %mul3A_11 = arith.constant 640 : i32
    %mul3A_12 = arith.muli %arg1, %mul3A_11 : i32
    %add3A_13 = arith.constant 256 : i32
    %add3A_14 = arith.addi %mul3A_12, %add3A_13 : i32
    "tpu.region"() ({
      %run_scoped3A = tpu.sem_alloc : memref<!tpu.dma_semaphore, #tpu.memory_space<semaphore_mem>>
      %dma_start3A = arith.constant 0 : i32
      %dma_start3A_46 = tpu.memref_slice %arg10[%add3A_14, %dma_start3A] : memref<10240x128xf32, #tpu.memory_space<vmem_shared>> -> memref<128x128xf32, #tpu.memory_space<vmem_shared>>
      %dma_start3A_47 = arith.constant 10112 : i32
      %dma_start3A_48 = arith.constant 0 : i32
      %dma_start3A_49 = tpu.memref_slice %arg2[%dma_start3A_47, %dma_start3A_48] : memref<10240x128xf32, #tpu.memory_space<hbm>> -> memref<128x128xf32, #tpu.memory_space<hbm>>
      tpu.enqueue_dma source(%dma_start3A_49 : memref<128x128xf32, #tpu.memory_space<hbm>>) target(%dma_start3A_46 : memref<128x128xf32, #tpu.memory_space<vmem_shared>>) target_semaphore(%run_scoped3A : memref<!tpu.dma_semaphore, #tpu.memory_space<semaphore_mem>>)
      %dma_wait3A_50 = arith.constant 0 : i32
      %dma_wait3A_51 = tpu.memref_slice %arg10[%add3A_14, %dma_wait3A_50] : memref<10240x128xf32, #tpu.memory_space<vmem_shared>> -> memref<128x128xf32, #tpu.memory_space<vmem_shared>>
      %dma_wait3A_52 = arith.constant 10112 : i32
      %dma_wait3A_53 = arith.constant 0 : i32
      %dma_wait3A_54 = tpu.memref_slice %arg2[%dma_wait3A_52, %dma_wait3A_53] : memref<10240x128xf32, #tpu.memory_space<hbm>> -> memref<128x128xf32, #tpu.memory_space<hbm>>
      tpu.wait_dma2 semaphore(%run_scoped3A : memref<!tpu.dma_semaphore, #tpu.memory_space<semaphore_mem>>) src(%dma_wait3A_54 : memref<128x128xf32, #tpu.memory_space<hbm>>) dst(%dma_wait3A_51 : memref<128x128xf32, #tpu.memory_space<vmem_shared>>)
      tpu.yield
    }) : () -> ()
    %mul3A_15 = arith.constant 640 : i32
    %mul3A_16 = arith.muli %arg1, %mul3A_15 : i32
    %add3A_17 = arith.constant 384 : i32
    %add3A_18 = arith.addi %mul3A_16, %add3A_17 : i32
    "tpu.region"() ({
      %run_scoped3A = tpu.sem_alloc : memref<!tpu.dma_semaphore, #tpu.memory_space<semaphore_mem>>
      %dma_start3A = arith.constant 0 : i32
      %dma_start3A_46 = tpu.memref_slice %arg10[%add3A_18, %dma_start3A] : memref<10240x128xf32, #tpu.memory_space<vmem_shared>> -> memref<128x128xf32, #tpu.memory_space<vmem_shared>>
      %dma_start3A_47 = arith.constant 10112 : i32
      %dma_start3A_48 = arith.constant 0 : i32
      %dma_start3A_49 = tpu.memref_slice %arg2[%dma_start3A_47, %dma_start3A_48] : memref<10240x128xf32, #tpu.memory_space<hbm>> -> memref<128x128xf32, #tpu.memory_space<hbm>>
      tpu.enqueue_dma source(%dma_start3A_49 : memref<128x128xf32, #tpu.memory_space<hbm>>) target(%dma_start3A_46 : memref<128x128xf32, #tpu.memory_space<vmem_shared>>) target_semaphore(%run_scoped3A : memref<!tpu.dma_semaphore, #tpu.memory_space<semaphore_mem>>)
      %dma_wait3A_50 = arith.constant 0 : i32
      %dma_wait3A_51 = tpu.memref_slice %arg10[%add3A_18, %dma_wait3A_50] : memref<10240x128xf32, #tpu.memory_space<vmem_shared>> -> memref<128x128xf32, #tpu.memory_space<vmem_shared>>
      %dma_wait3A_52 = arith.constant 10112 : i32
      %dma_wait3A_53 = arith.constant 0 : i32
      %dma_wait3A_54 = tpu.memref_slice %arg2[%dma_wait3A_52, %dma_wait3A_53] : memref<10240x128xf32, #tpu.memory_space<hbm>> -> memref<128x128xf32, #tpu.memory_space<hbm>>
      tpu.wait_dma2 semaphore(%run_scoped3A : memref<!tpu.dma_semaphore, #tpu.memory_space<semaphore_mem>>) src(%dma_wait3A_54 : memref<128x128xf32, #tpu.memory_space<hbm>>) dst(%dma_wait3A_51 : memref<128x128xf32, #tpu.memory_space<vmem_shared>>)
      tpu.yield
    }) : () -> ()
    %mul3A_19 = arith.constant 640 : i32
    %mul3A_20 = arith.muli %arg1, %mul3A_19 : i32
    %add3A_21 = arith.constant 512 : i32
    %add3A_22 = arith.addi %mul3A_20, %add3A_21 : i32
    "tpu.region"() ({
      %run_scoped3A = tpu.sem_alloc : memref<!tpu.dma_semaphore, #tpu.memory_space<semaphore_mem>>
      %dma_start3A = arith.constant 0 : i32
      %dma_start3A_46 = tpu.memref_slice %arg10[%add3A_22, %dma_start3A] : memref<10240x128xf32, #tpu.memory_space<vmem_shared>> -> memref<128x128xf32, #tpu.memory_space<vmem_shared>>
      %dma_start3A_47 = arith.constant 10112 : i32
      %dma_start3A_48 = arith.constant 0 : i32
      %dma_start3A_49 = tpu.memref_slice %arg2[%dma_start3A_47, %dma_start3A_48] : memref<10240x128xf32, #tpu.memory_space<hbm>> -> memref<128x128xf32, #tpu.memory_space<hbm>>
      tpu.enqueue_dma source(%dma_start3A_49 : memref<128x128xf32, #tpu.memory_space<hbm>>) target(%dma_start3A_46 : memref<128x128xf32, #tpu.memory_space<vmem_shared>>) target_semaphore(%run_scoped3A : memref<!tpu.dma_semaphore, #tpu.memory_space<semaphore_mem>>)
      %dma_wait3A_50 = arith.constant 0 : i32
      %dma_wait3A_51 = tpu.memref_slice %arg10[%add3A_22, %dma_wait3A_50] : memref<10240x128xf32, #tpu.memory_space<vmem_shared>> -> memref<128x128xf32, #tpu.memory_space<vmem_shared>>
      %dma_wait3A_52 = arith.constant 10112 : i32
      %dma_wait3A_53 = arith.constant 0 : i32
      %dma_wait3A_54 = tpu.memref_slice %arg2[%dma_wait3A_52, %dma_wait3A_53] : memref<10240x128xf32, #tpu.memory_space<hbm>> -> memref<128x128xf32, #tpu.memory_space<hbm>>
      tpu.wait_dma2 semaphore(%run_scoped3A : memref<!tpu.dma_semaphore, #tpu.memory_space<semaphore_mem>>) src(%dma_wait3A_54 : memref<128x128xf32, #tpu.memory_space<hbm>>) dst(%dma_wait3A_51 : memref<128x128xf32, #tpu.memory_space<vmem_shared>>)
      tpu.yield
    }) : () -> ()
    %barrier3A = arith.constant 0 : index
    tpu.barrier barrier_id(%barrier3A)
    %scan3A = arith.constant 0 : i32
    %scan3A_23 = arith.constant 0 : i32
    %scan3A_24 = arith.constant 5 : i32
    %scan3A_25 = arith.addi %scan3A_23, %scan3A_24 : i32
    %scan3A_26 = arith.constant 1 : i32
    scf.for %scan3A_46 = %scan3A_23 to %scan3A_25 step %scan3A_26  : i32 {
      %mul3A_47 = arith.constant 16 : i32
      %mul3A_48 = arith.muli %scan3A_46, %mul3A_47 : i32
      %mul3A_49 = arith.constant 80 : i32
      %mul3A_50 = arith.muli %add3A, %mul3A_49 : i32
      %add3A_51 = arith.addi %mul3A_50, %mul3A_48 : i32
      "tpu.region"() ({
        %run_scoped3A = tpu.sem_alloc : memref<!tpu.dma_semaphore, #tpu.memory_space<semaphore_mem>>
        %dma_start3A_66 = arith.constant 0 : i32
        %dma_start3A_67 = tpu.memref_slice %arg3[%add3A_51, %dma_start3A_66] : memref<2560x128xi32, #tpu.memory_space<hbm>> -> memref<16x128xi32, #tpu.memory_space<hbm>>
        %dma_start3A_68 = arith.constant 0 : i32
        %dma_start3A_69 = tpu.memref_slice %arg3[%add3A_51, %dma_start3A_68] : memref<2560x128xi32, #tpu.memory_space<hbm>> -> memref<16x128xi32, #tpu.memory_space<hbm>>
        tpu.enqueue_dma source(%dma_start3A_69 : memref<16x128xi32, #tpu.memory_space<hbm>>) target(%arg6 : memref<16x128xi32, #tpu.memory_space<vmem>>) target_semaphore(%run_scoped3A : memref<!tpu.dma_semaphore, #tpu.memory_space<semaphore_mem>>)
        %dma_wait3A_70 = arith.constant 0 : i32
        %dma_wait3A_71 = tpu.memref_slice %arg3[%add3A_51, %dma_wait3A_70] : memref<2560x128xi32, #tpu.memory_space<hbm>> -> memref<16x128xi32, #tpu.memory_space<hbm>>
        %dma_wait3A_72 = arith.constant 0 : i32
        %dma_wait3A_73 = tpu.memref_slice %arg3[%add3A_51, %dma_wait3A_72] : memref<2560x128xi32, #tpu.memory_space<hbm>> -> memref<16x128xi32, #tpu.memory_space<hbm>>
        tpu.wait_dma2 semaphore(%run_scoped3A : memref<!tpu.dma_semaphore, #tpu.memory_space<semaphore_mem>>) src(%dma_wait3A_73 : memref<16x128xi32, #tpu.memory_space<hbm>>) dst(%arg6 : memref<16x128xi32, #tpu.memory_space<vmem>>)
        tpu.yield
      }) : () -> ()
      %gt3A = arith.constant 0 : i32
      %gt3A_52 = arith.cmpi sgt, %scan3A_46, %gt3A : i32
      %convert_element_type3A = arith.extui %gt3A_52 : i1 to i32
      %cond3A = arith.constant 0 : i32
      %cond3A_53 = arith.cmpi ne, %convert_element_type3A, %cond3A : i32
      scf.if %cond3A_53 {
        %dma_wait3A_66 = arith.constant 0 : i32
        %dma_wait3A_67 = arith.constant 0 : i32
        %dma_wait3A_68 = tpu.memref_slice %arg7[%dma_wait3A_66, %dma_wait3A_67] : memref<80x128xi32, #tpu.memory_space<vmem>> -> memref<1x128xi32, #tpu.memory_space<vmem>>
        %dma_wait3A_69 = tpu.memref_squeeze %dma_wait3A_68 : memref<1x128xi32, #tpu.memory_space<vmem>> -> memref<128xi32, #tpu.memory_space<vmem>>
        %dma_wait3A_70 = arith.constant 0 : i32
        %dma_wait3A_71 = arith.constant 0 : i32
        %dma_wait3A_72 = tpu.memref_slice %arg10[%dma_wait3A_70, %dma_wait3A_71] : memref<10240x128xf32, #tpu.memory_space<vmem_shared>> -> memref<10240x128xf32, #tpu.memory_space<vmem_shared>>
        tpu.wait_indirect_dma semaphore(%arg13 : memref<!tpu.dma_semaphore, #tpu.memory_space<semaphore_mem>>) src(%arg8 : memref<128x128xf32, #tpu.memory_space<vmem>>) dst(%dma_wait3A_72 : memref<10240x128xf32, #tpu.memory_space<vmem_shared>>)
      } else {
      }
      %dma_start3A = arith.constant 0 : i32
      %dma_start3A_54 = arith.constant 0 : i32
      %dma_start3A_55 = tpu.memref_slice %arg6[%dma_start3A, %dma_start3A_54] : memref<16x128xi32, #tpu.memory_space<vmem>> -> memref<1x128xi32, #tpu.memory_space<vmem>>
      %dma_start3A_56 = tpu.memref_squeeze %dma_start3A_55 : memref<1x128xi32, #tpu.memory_space<vmem>> -> memref<128xi32, #tpu.memory_space<vmem>>
      %dma_start3A_57 = arith.constant 0 : i32
      %dma_start3A_58 = arith.constant 0 : i32
      %dma_start3A_59 = tpu.memref_slice %arg2[%dma_start3A_57, %dma_start3A_58] : memref<10240x128xf32, #tpu.memory_space<hbm>> -> memref<10240x128xf32, #tpu.memory_space<hbm>>
      tpu.enqueue_indirect_dma source(%dma_start3A_59 : memref<10240x128xf32, #tpu.memory_space<hbm>>) target(%arg8 : memref<128x128xf32, #tpu.memory_space<vmem>>) offsets(%dma_start3A_56 : memref<128xi32, #tpu.memory_space<vmem>>) semaphore(%arg11 : memref<!tpu.dma_semaphore, #tpu.memory_space<semaphore_mem>>)
      %scan3A_60 = arith.constant 0 : i32
      %scan3A_61 = arith.constant 0 : i32
      %scan3A_62 = arith.constant 8 : i32
      %scan3A_63 = arith.addi %scan3A_61, %scan3A_62 : i32
      %scan3A_64 = arith.constant 1 : i32
      scf.for %scan3A_66 = %scan3A_61 to %scan3A_63 step %scan3A_64  : i32 {
        %mul3A_67 = arith.constant 2 : i32
        %mul3A_68 = arith.muli %scan3A_66, %mul3A_67 : i32
        %add3A_69 = arith.addi %mul3A_48, %mul3A_68 : i32
        %add3A_70 = arith.addi %scan3A_46, %scan3A_66 : i32
        %gt3A_71 = arith.constant 0 : i32
        %gt3A_72 = arith.cmpi sgt, %add3A_70, %gt3A_71 : i32
        %convert_element_type3A_73 = arith.extui %gt3A_72 : i1 to i32
        %cond3A_74 = arith.constant 0 : i32
        %cond3A_75 = arith.cmpi ne, %convert_element_type3A_73, %cond3A_74 : i32
        scf.if %cond3A_75 {
          %dma_wait3A_118 = arith.constant 0 : i32
          %dma_wait3A_119 = arith.constant 0 : i32
          %dma_wait3A_120 = tpu.memref_slice %arg7[%dma_wait3A_118, %dma_wait3A_119] : memref<80x128xi32, #tpu.memory_space<vmem>> -> memref<1x128xi32, #tpu.memory_space<vmem>>
          %dma_wait3A_121 = tpu.memref_squeeze %dma_wait3A_120 : memref<1x128xi32, #tpu.memory_space<vmem>> -> memref<128xi32, #tpu.memory_space<vmem>>
          %dma_wait3A_122 = arith.constant 0 : i32
          %dma_wait3A_123 = arith.constant 0 : i32
          %dma_wait3A_124 = tpu.memref_slice %arg10[%dma_wait3A_122, %dma_wait3A_123] : memref<10240x128xf32, #tpu.memory_space<vmem_shared>> -> memref<10240x128xf32, #tpu.memory_space<vmem_shared>>
          tpu.wait_indirect_dma semaphore(%arg14 : memref<!tpu.dma_semaphore, #tpu.memory_space<semaphore_mem>>) src(%arg9 : memref<128x128xf32, #tpu.memory_space<vmem>>) dst(%dma_wait3A_124 : memref<10240x128xf32, #tpu.memory_space<vmem_shared>>)
        } else {
        }
        %add3A_76 = arith.constant 1 : i32
        %add3A_77 = arith.addi %mul3A_68, %add3A_76 : i32
        %dma_start3A_78 = arith.constant 0 : i32
        %dma_start3A_79 = tpu.memref_slice %arg6[%add3A_77, %dma_start3A_78] : memref<16x128xi32, #tpu.memory_space<vmem>> -> memref<1x128xi32, #tpu.memory_space<vmem>>
        %dma_start3A_80 = tpu.memref_squeeze %dma_start3A_79 : memref<1x128xi32, #tpu.memory_space<vmem>> -> memref<128xi32, #tpu.memory_space<vmem>>
        %dma_start3A_81 = arith.constant 0 : i32
        %dma_start3A_82 = arith.constant 0 : i32
        %dma_start3A_83 = tpu.memref_slice %arg2[%dma_start3A_81, %dma_start3A_82] : memref<10240x128xf32, #tpu.memory_space<hbm>> -> memref<10240x128xf32, #tpu.memory_space<hbm>>
        tpu.enqueue_indirect_dma source(%dma_start3A_83 : memref<10240x128xf32, #tpu.memory_space<hbm>>) target(%arg9 : memref<128x128xf32, #tpu.memory_space<vmem>>) offsets(%dma_start3A_80 : memref<128xi32, #tpu.memory_space<vmem>>) semaphore(%arg12 : memref<!tpu.dma_semaphore, #tpu.memory_space<semaphore_mem>>)
        %dma_wait3A_84 = arith.constant 0 : i32
        %dma_wait3A_85 = tpu.memref_slice %arg6[%mul3A_68, %dma_wait3A_84] : memref<16x128xi32, #tpu.memory_space<vmem>> -> memref<1x128xi32, #tpu.memory_space<vmem>>
        %dma_wait3A_86 = tpu.memref_squeeze %dma_wait3A_85 : memref<1x128xi32, #tpu.memory_space<vmem>> -> memref<128xi32, #tpu.memory_space<vmem>>
        %dma_wait3A_87 = arith.constant 0 : i32
        %dma_wait3A_88 = arith.constant 0 : i32
        %dma_wait3A_89 = tpu.memref_slice %arg2[%dma_wait3A_87, %dma_wait3A_88] : memref<10240x128xf32, #tpu.memory_space<hbm>> -> memref<10240x128xf32, #tpu.memory_space<hbm>>
        tpu.wait_indirect_dma semaphore(%arg11 : memref<!tpu.dma_semaphore, #tpu.memory_space<semaphore_mem>>) src(%dma_wait3A_89 : memref<10240x128xf32, #tpu.memory_space<hbm>>) dst(%arg8 : memref<128x128xf32, #tpu.memory_space<vmem>>)
        %dma_start3A_90 = arith.constant 0 : i32
        %dma_start3A_91 = tpu.memref_slice %arg7[%add3A_69, %dma_start3A_90] : memref<80x128xi32, #tpu.memory_space<vmem>> -> memref<1x128xi32, #tpu.memory_space<vmem>>
        %dma_start3A_92 = tpu.memref_squeeze %dma_start3A_91 : memref<1x128xi32, #tpu.memory_space<vmem>> -> memref<128xi32, #tpu.memory_space<vmem>>
        %dma_start3A_93 = arith.constant 0 : i32
        %dma_start3A_94 = arith.constant 0 : i32
        %dma_start3A_95 = tpu.memref_slice %arg10[%dma_start3A_93, %dma_start3A_94] : memref<10240x128xf32, #tpu.memory_space<vmem_shared>> -> memref<10240x128xf32, #tpu.memory_space<vmem_shared>>
        tpu.enqueue_indirect_dma source(%arg8 : memref<128x128xf32, #tpu.memory_space<vmem>>) target(%dma_start3A_95 : memref<10240x128xf32, #tpu.memory_space<vmem_shared>>) offsets(%dma_start3A_92 : memref<128xi32, #tpu.memory_space<vmem>>) semaphore(%arg13 : memref<!tpu.dma_semaphore, #tpu.memory_space<semaphore_mem>>) {add = true}
        %add3A_96 = arith.constant 2 : i32
        %add3A_97 = arith.addi %mul3A_68, %add3A_96 : i32
        %lt3A = arith.constant 16 : i32
        %lt3A_98 = arith.cmpi slt, %add3A_97, %lt3A : i32
        %convert_element_type3A_99 = arith.extui %lt3A_98 : i1 to i32
        %cond3A_100 = arith.constant 0 : i32
        %cond3A_101 = arith.cmpi ne, %convert_element_type3A_99, %cond3A_100 : i32
        scf.if %cond3A_101 {
          %dma_wait3A_118 = arith.constant 0 : i32
          %dma_wait3A_119 = arith.constant 0 : i32
          %dma_wait3A_120 = tpu.memref_slice %arg7[%dma_wait3A_118, %dma_wait3A_119] : memref<80x128xi32, #tpu.memory_space<vmem>> -> memref<1x128xi32, #tpu.memory_space<vmem>>
          %dma_wait3A_121 = tpu.memref_squeeze %dma_wait3A_120 : memref<1x128xi32, #tpu.memory_space<vmem>> -> memref<128xi32, #tpu.memory_space<vmem>>
          %dma_wait3A_122 = arith.constant 0 : i32
          %dma_wait3A_123 = arith.constant 0 : i32
          %dma_wait3A_124 = tpu.memref_slice %arg10[%dma_wait3A_122, %dma_wait3A_123] : memref<10240x128xf32, #tpu.memory_space<vmem_shared>> -> memref<10240x128xf32, #tpu.memory_space<vmem_shared>>
          tpu.wait_indirect_dma semaphore(%arg13 : memref<!tpu.dma_semaphore, #tpu.memory_space<semaphore_mem>>) src(%arg8 : memref<128x128xf32, #tpu.memory_space<vmem>>) dst(%dma_wait3A_124 : memref<10240x128xf32, #tpu.memory_space<vmem_shared>>)
          %add3A_125 = arith.constant 2 : i32
          %add3A_126 = arith.addi %mul3A_68, %add3A_125 : i32
          %dma_start3A_127 = arith.constant 0 : i32
          %dma_start3A_128 = tpu.memref_slice %arg6[%add3A_126, %dma_start3A_127] : memref<16x128xi32, #tpu.memory_space<vmem>> -> memref<1x128xi32, #tpu.memory_space<vmem>>
          %dma_start3A_129 = tpu.memref_squeeze %dma_start3A_128 : memref<1x128xi32, #tpu.memory_space<vmem>> -> memref<128xi32, #tpu.memory_space<vmem>>
          %dma_start3A_130 = arith.constant 0 : i32
          %dma_start3A_131 = arith.constant 0 : i32
          %dma_start3A_132 = tpu.memref_slice %arg2[%dma_start3A_130, %dma_start3A_131] : memref<10240x128xf32, #tpu.memory_space<hbm>> -> memref<10240x128xf32, #tpu.memory_space<hbm>>
          tpu.enqueue_indirect_dma source(%dma_start3A_132 : memref<10240x128xf32, #tpu.memory_space<hbm>>) target(%arg8 : memref<128x128xf32, #tpu.memory_space<vmem>>) offsets(%dma_start3A_129 : memref<128xi32, #tpu.memory_space<vmem>>) semaphore(%arg11 : memref<!tpu.dma_semaphore, #tpu.memory_space<semaphore_mem>>)
        } else {
        }
        %add3A_102 = arith.constant 1 : i32
        %add3A_103 = arith.addi %mul3A_68, %add3A_102 : i32
        %dma_wait3A_104 = arith.constant 0 : i32
        %dma_wait3A_105 = tpu.memref_slice %arg6[%add3A_103, %dma_wait3A_104] : memref<16x128xi32, #tpu.memory_space<vmem>> -> memref<1x128xi32, #tpu.memory_space<vmem>>
        %dma_wait3A_106 = tpu.memref_squeeze %dma_wait3A_105 : memref<1x128xi32, #tpu.memory_space<vmem>> -> memref<128xi32, #tpu.memory_space<vmem>>
        %dma_wait3A_107 = arith.constant 0 : i32
        %dma_wait3A_108 = arith.constant 0 : i32
        %dma_wait3A_109 = tpu.memref_slice %arg2[%dma_wait3A_107, %dma_wait3A_108] : memref<10240x128xf32, #tpu.memory_space<hbm>> -> memref<10240x128xf32, #tpu.memory_space<hbm>>
        tpu.wait_indirect_dma semaphore(%arg12 : memref<!tpu.dma_semaphore, #tpu.memory_space<semaphore_mem>>) src(%dma_wait3A_109 : memref<10240x128xf32, #tpu.memory_space<hbm>>) dst(%arg9 : memref<128x128xf32, #tpu.memory_space<vmem>>)
        %add3A_110 = arith.constant 1 : i32
        %add3A_111 = arith.addi %add3A_69, %add3A_110 : i32
        %dma_start3A_112 = arith.constant 0 : i32
        %dma_start3A_113 = tpu.memref_slice %arg7[%add3A_111, %dma_start3A_112] : memref<80x128xi32, #tpu.memory_space<vmem>> -> memref<1x128xi32, #tpu.memory_space<vmem>>
        %dma_start3A_114 = tpu.memref_squeeze %dma_start3A_113 : memref<1x128xi32, #tpu.memory_space<vmem>> -> memref<128xi32, #tpu.memory_space<vmem>>
        %dma_start3A_115 = arith.constant 0 : i32
        %dma_start3A_116 = arith.constant 0 : i32
        %dma_start3A_117 = tpu.memref_slice %arg10[%dma_start3A_115, %dma_start3A_116] : memref<10240x128xf32, #tpu.memory_space<vmem_shared>> -> memref<10240x128xf32, #tpu.memory_space<vmem_shared>>
        tpu.enqueue_indirect_dma source(%arg9 : memref<128x128xf32, #tpu.memory_space<vmem>>) target(%dma_start3A_117 : memref<10240x128xf32, #tpu.memory_space<vmem_shared>>) offsets(%dma_start3A_114 : memref<128xi32, #tpu.memory_space<vmem>>) semaphore(%arg14 : memref<!tpu.dma_semaphore, #tpu.memory_space<semaphore_mem>>) {add = true}
      }
      %scan3A_65 = arith.constant 8 : i32
    }
    %scan3A_27 = arith.constant 5 : i32
    %dma_wait3A = arith.constant 0 : i32
    %dma_wait3A_28 = arith.constant 0 : i32
    %dma_wait3A_29 = tpu.memref_slice %arg7[%dma_wait3A, %dma_wait3A_28] : memref<80x128xi32, #tpu.memory_space<vmem>> -> memref<1x128xi32, #tpu.memory_space<vmem>>
    %dma_wait3A_30 = tpu.memref_squeeze %dma_wait3A_29 : memref<1x128xi32, #tpu.memory_space<vmem>> -> memref<128xi32, #tpu.memory_space<vmem>>
    %dma_wait3A_31 = arith.constant 0 : i32
    %dma_wait3A_32 = arith.constant 0 : i32
    %dma_wait3A_33 = tpu.memref_slice %arg10[%dma_wait3A_31, %dma_wait3A_32] : memref<10240x128xf32, #tpu.memory_space<vmem_shared>> -> memref<10240x128xf32, #tpu.memory_space<vmem_shared>>
    tpu.wait_indirect_dma semaphore(%arg13 : memref<!tpu.dma_semaphore, #tpu.memory_space<semaphore_mem>>) src(%arg8 : memref<128x128xf32, #tpu.memory_space<vmem>>) dst(%dma_wait3A_33 : memref<10240x128xf32, #tpu.memory_space<vmem_shared>>)
    %dma_wait3A_34 = arith.constant 0 : i32
    %dma_wait3A_35 = arith.constant 0 : i32
    %dma_wait3A_36 = tpu.memref_slice %arg7[%dma_wait3A_34, %dma_wait3A_35] : memref<80x128xi32, #tpu.memory_space<vmem>> -> memref<1x128xi32, #tpu.memory_space<vmem>>
    %dma_wait3A_37 = tpu.memref_squeeze %dma_wait3A_36 : memref<1x128xi32, #tpu.memory_space<vmem>> -> memref<128xi32, #tpu.memory_space<vmem>>
    %dma_wait3A_38 = arith.constant 0 : i32
    %dma_wait3A_39 = arith.constant 0 : i32
    %dma_wait3A_40 = tpu.memref_slice %arg10[%dma_wait3A_38, %dma_wait3A_39] : memref<10240x128xf32, #tpu.memory_space<vmem_shared>> -> memref<10240x128xf32, #tpu.memory_space<vmem_shared>>
    tpu.wait_indirect_dma semaphore(%arg14 : memref<!tpu.dma_semaphore, #tpu.memory_space<semaphore_mem>>) src(%arg9 : memref<128x128xf32, #tpu.memory_space<vmem>>) dst(%dma_wait3A_40 : memref<10240x128xf32, #tpu.memory_space<vmem_shared>>)
    %barrier3A_41 = arith.constant 0 : index
    tpu.barrier barrier_id(%barrier3A_41)
    %mul3A_42 = arith.constant 640 : i32
    %mul3A_43 = arith.muli %arg1, %mul3A_42 : i32
    %mul3A_44 = arith.constant 640 : i32
    %mul3A_45 = arith.muli %arg1, %mul3A_44 : i32
    "tpu.region"() ({
      %run_scoped3A = tpu.sem_alloc : memref<!tpu.dma_semaphore, #tpu.memory_space<semaphore_mem>>
      %dma_start3A = arith.constant 0 : i32
      %dma_start3A_46 = tpu.memref_slice %arg5[%arg0, %mul3A_45, %dma_start3A] : memref<2x10240x128xf32, #tpu.memory_space<hbm>> -> memref<1x640x128xf32, #tpu.memory_space<hbm>>
      %dma_start3A_47 = tpu.memref_squeeze %dma_start3A_46 : memref<1x640x128xf32, #tpu.memory_space<hbm>> -> memref<640x128xf32, #tpu.memory_space<hbm>>
      %dma_start3A_48 = arith.constant 0 : i32
      %dma_start3A_49 = tpu.memref_slice %arg10[%mul3A_43, %dma_start3A_48] : memref<10240x128xf32, #tpu.memory_space<vmem_shared>> -> memref<640x128xf32, #tpu.memory_space<vmem_shared>>
      tpu.enqueue_dma source(%dma_start3A_49 : memref<640x128xf32, #tpu.memory_space<vmem_shared>>) target(%dma_start3A_47 : memref<640x128xf32, #tpu.memory_space<hbm>>) target_semaphore(%run_scoped3A : memref<!tpu.dma_semaphore, #tpu.memory_space<semaphore_mem>>)
      %dma_wait3A_50 = arith.constant 0 : i32
      %dma_wait3A_51 = tpu.memref_slice %arg5[%arg0, %mul3A_45, %dma_wait3A_50] : memref<2x10240x128xf32, #tpu.memory_space<hbm>> -> memref<1x640x128xf32, #tpu.memory_space<hbm>>
      %dma_wait3A_52 = tpu.memref_squeeze %dma_wait3A_51 : memref<1x640x128xf32, #tpu.memory_space<hbm>> -> memref<640x128xf32, #tpu.memory_space<hbm>>
      %dma_wait3A_53 = arith.constant 0 : i32
      %dma_wait3A_54 = tpu.memref_slice %arg10[%mul3A_43, %dma_wait3A_53] : memref<10240x128xf32, #tpu.memory_space<vmem_shared>> -> memref<640x128xf32, #tpu.memory_space<vmem_shared>>
      tpu.wait_dma2 semaphore(%run_scoped3A : memref<!tpu.dma_semaphore, #tpu.memory_space<semaphore_mem>>) src(%dma_wait3A_54 : memref<640x128xf32, #tpu.memory_space<vmem_shared>>) dst(%dma_wait3A_52 : memref<640x128xf32, #tpu.memory_space<hbm>>)
      tpu.yield
    }) : () -> ()
    return
  }
}

module attributes {stable_mosaic.version = 14 : i64} {
  func.func @body(%arg0: i32, %arg1: memref<512x128xf32, #tpu.memory_space<vmem>>, %arg2: memref<128x128xf32, #tpu.memory_space<vmem>>, %arg3: memref<32x512xf32, #tpu.memory_space<vmem>>, %arg4: memref<512x128xf32, #tpu.memory_space<vmem>>, %arg5: memref<512x1xf32, #tpu.memory_space<vmem>>) attributes {dimension_semantics = [#tpu.dimension_semantics<arbitrary>], iteration_bounds = array<i64: 20>, scalar_prefetch = 0 : i64, scratch_operands = 0 : i64, tpu.core_type = #tpu.core_type<tc>, window_params = [{transform_indices = @transform_0, window_bounds = array<i64: 512, 128>}, {pipeline_mode = #tpu.pipeline_mode<synchronous>, transform_indices = @transform_1, window_bounds = array<i64: 128, 128>}, {transform_indices = @transform_2, window_bounds = array<i64: 32, 512>}, {transform_indices = @transform_3, window_bounds = array<i64: 512, 128>}, {transform_indices = @transform_4, window_bounds = array<i64: 512, 1>}]} {
    %get3A = arith.constant 0 : index
    %get3A_0 = arith.constant 0 : index
    %get3A_1 = vector.load %arg3[%get3A, %get3A_0] : memref<32x512xf32, #tpu.memory_space<vmem>>, vector<32x512xf32>
    %reduce_sum3A = arith.constant dense<0.000000e+00> : vector<512xf32>
    %reduce_sum3A_2 = vector.multi_reduction <add>, %get3A_1, %reduce_sum3A [0] : vector<32x512xf32> to vector<512xf32>
    %add3A = arith.constant 1.000000e+00 : f32
    %add3A_3 = vector.broadcast %add3A : f32 to vector<512xf32>
    %add3A_4 = arith.addf %reduce_sum3A_2, %add3A_3 : vector<512xf32>
    %rsqrt3A = math.rsqrt %add3A_4 : vector<512xf32>
    %reshape3A = vector.shape_cast %rsqrt3A : vector<512xf32> to vector<512x1xf32>
    %mul3A = arith.constant 512 : i32
    %mul3A_5 = arith.muli %arg0, %mul3A : i32
    %iota3A = tpu.iota {dimensions = array<i32: 0>} : vector<512x1xi32>
    %add3A_6 = vector.broadcast %mul3A_5 : i32 to vector<512x1xi32>
    %add3A_7 = arith.addi %add3A_6, %iota3A : vector<512x1xi32>
    %get3A_8 = arith.constant 0 : index
    %get3A_9 = arith.constant 0 : index
    %get3A_10 = vector.load %arg1[%get3A_8, %get3A_9] : memref<512x128xf32, #tpu.memory_space<vmem>>, vector<512x128xf32>
    %get3A_11 = arith.constant 0 : index
    %get3A_12 = arith.constant 0 : index
    %get3A_13 = vector.load %arg2[%get3A_11, %get3A_12] : memref<128x128xf32, #tpu.memory_space<vmem>>, vector<128x128xf32>
    %dot_general3A = arith.constant dense<0.000000e+00> : vector<512x128xf32>
    %dot_general3A_14 = tpu.matmul %get3A_10, %get3A_13, %dot_general3A {dimension_numbers = #tpu.dot_dimension_numbers<[1], [0], [0], [1], [0, 0, 1, 1], [], []>, transpose_lhs_hint = false} : vector<512x128xf32>, vector<128x128xf32>, vector<512x128xf32> -> vector<512x128xf32>
    %lt3A = arith.constant 10000 : i32
    %lt3A_15 = vector.broadcast %lt3A : i32 to vector<512x1xi32>
    %lt3A_16 = arith.cmpi slt, %add3A_7, %lt3A_15 : vector<512x1xi32>
    %mul3A_17 = vector.broadcast %reshape3A : vector<512x1xf32> to vector<512x128xf32>
    %mul3A_18 = arith.mulf %dot_general3A_14, %mul3A_17 : vector<512x128xf32>
    %jit3A = arith.constant 0.000000e+00 : f32
    %broadcast_in_dim3A = vector.shape_cast %lt3A_16 : vector<512x1xi1> to vector<512x1xi1>
    %broadcast_in_dim3A_19 = vector.broadcast %broadcast_in_dim3A : vector<512x1xi1> to vector<512x128xi1>
    %broadcast_in_dim3A_20 = vector.broadcast %jit3A : f32 to vector<512x128xf32>
    %select_n3A = arith.select %broadcast_in_dim3A_19, %mul3A_18, %broadcast_in_dim3A_20 : vector<512x128xi1>, vector<512x128xf32>
    %swap3A = arith.constant 0 : index
    %swap3A_21 = arith.constant 0 : index
    %swap3A_22 = vector.load %arg4[%swap3A, %swap3A_21] : memref<512x128xf32, #tpu.memory_space<vmem>>, vector<512x128xf32>
    tpu.vector_store %arg4[%swap3A, %swap3A_21], %select_n3A {strides = array<i32>} : memref<512x128xf32, #tpu.memory_space<vmem>>, vector<512x128xf32>,
    %swap3A_23 = arith.constant 0 : index
    %swap3A_24 = arith.constant 0 : index
    %swap3A_25 = vector.load %arg5[%swap3A_23, %swap3A_24] : memref<512x1xf32, #tpu.memory_space<vmem>>, vector<512x1xf32>
    tpu.vector_store %arg5[%swap3A_23, %swap3A_24], %reshape3A {strides = array<i32>} : memref<512x1xf32, #tpu.memory_space<vmem>>, vector<512x1xf32>,
    return
  }
  func.func @transform_0(%arg0: i32) -> (i32, i32) {
    %c0_i32 = arith.constant 0 : i32
    %c0_i32_0 = arith.constant 0 : i32
    return %arg0, %c0_i32 : i32, i32
  }
  func.func @transform_1(%arg0: i32) -> (i32, i32) {
    %c0_i32 = arith.constant 0 : i32
    %c0_i32_0 = arith.constant 0 : i32
    %c0_i32_1 = arith.constant 0 : i32
    return %c0_i32, %c0_i32_0 : i32, i32
  }
  func.func @transform_2(%arg0: i32) -> (i32, i32) {
    %c0_i32 = arith.constant 0 : i32
    %c0_i32_0 = arith.constant 0 : i32
    return %c0_i32, %arg0 : i32, i32
  }
  func.func @transform_3(%arg0: i32) -> (i32, i32) {
    %c0_i32 = arith.constant 0 : i32
    %c0_i32_0 = arith.constant 0 : i32
    return %arg0, %c0_i32 : i32, i32
  }
  func.func @transform_4(%arg0: i32) -> (i32, i32) {
    %c0_i32 = arith.constant 0 : i32
    %c0_i32_0 = arith.constant 0 : i32
    return %arg0, %c0_i32 : i32, i32
  }
}

module attributes {stable_mosaic.version = 14 : i64} {
  func.func @body(%arg0: i32, %arg1: memref<2x512x128xf32, #tpu.memory_space<vmem>>, %arg2: memref<512x128xf32, #tpu.memory_space<vmem>>, %arg3: memref<512x1xf32, #tpu.memory_space<vmem>>, %arg4: memref<1x128xf32, #tpu.memory_space<vmem>>, %arg5: memref<512x128xf32, #tpu.memory_space<vmem>>) attributes {dimension_semantics = [#tpu.dimension_semantics<arbitrary>], iteration_bounds = array<i64: 20>, scalar_prefetch = 0 : i64, scratch_operands = 0 : i64, tpu.core_type = #tpu.core_type<tc>, window_params = [{transform_indices = @transform_0, window_bounds = array<i64: 2, 512, 128>}, {transform_indices = @transform_1, window_bounds = array<i64: 512, 128>}, {transform_indices = @transform_2, window_bounds = array<i64: 512, 1>}, {pipeline_mode = #tpu.pipeline_mode<synchronous>, transform_indices = @transform_3, window_bounds = array<i64: 1, 128>}, {transform_indices = @transform_4, window_bounds = array<i64: 512, 128>}]} {
    %get3A = arith.constant 0 : index
    %get3A_0 = arith.constant 0 : index
    %get3A_1 = arith.constant 0 : index
    %get3A_2 = vector.load %arg1[%get3A, %get3A_0, %get3A_1] : memref<2x512x128xf32, #tpu.memory_space<vmem>>, vector<1x512x128xf32>
    %get3A_3 = vector.shape_cast %get3A_2 : vector<1x512x128xf32> to vector<512x128xf32>
    %get3A_4 = arith.constant 1 : index
    %get3A_5 = arith.constant 0 : index
    %get3A_6 = arith.constant 0 : index
    %get3A_7 = vector.load %arg1[%get3A_4, %get3A_5, %get3A_6] : memref<2x512x128xf32, #tpu.memory_space<vmem>>, vector<1x512x128xf32>
    %get3A_8 = vector.shape_cast %get3A_7 : vector<1x512x128xf32> to vector<512x128xf32>
    %add3A = arith.addf %get3A_3, %get3A_8 : vector<512x128xf32>
    %get3A_9 = arith.constant 0 : index
    %get3A_10 = arith.constant 0 : index
    %get3A_11 = vector.load %arg2[%get3A_9, %get3A_10] : memref<512x128xf32, #tpu.memory_space<vmem>>, vector<512x128xf32>
    %add3A_12 = arith.addf %add3A, %get3A_11 : vector<512x128xf32>
    %get3A_13 = arith.constant 0 : index
    %get3A_14 = arith.constant 0 : index
    %get3A_15 = vector.load %arg3[%get3A_13, %get3A_14] : memref<512x1xf32, #tpu.memory_space<vmem>>, vector<512x1xf32>
    %mul3A = vector.broadcast %get3A_15 : vector<512x1xf32> to vector<512x128xf32>
    %mul3A_16 = arith.mulf %add3A_12, %mul3A : vector<512x128xf32>
    %get3A_17 = arith.constant 0 : index
    %get3A_18 = arith.constant 0 : index
    %get3A_19 = vector.load %arg4[%get3A_17, %get3A_18] : memref<1x128xf32, #tpu.memory_space<vmem>>, vector<1x128xf32>
    %add3A_20 = vector.broadcast %get3A_19 : vector<1x128xf32> to vector<512x128xf32>
    %add3A_21 = arith.addf %mul3A_16, %add3A_20 : vector<512x128xf32>
    %max3A = arith.constant 0.000000e+00 : f32
    %max3A_22 = vector.broadcast %max3A : f32 to vector<512x128xf32>
    %max3A_23 = arith.maximumf %add3A_21, %max3A_22 : vector<512x128xf32>
    %swap3A = arith.constant 0 : index
    %swap3A_24 = arith.constant 0 : index
    %swap3A_25 = vector.load %arg5[%swap3A, %swap3A_24] : memref<512x128xf32, #tpu.memory_space<vmem>>, vector<512x128xf32>
    tpu.vector_store %arg5[%swap3A, %swap3A_24], %max3A_23 {strides = array<i32>} : memref<512x128xf32, #tpu.memory_space<vmem>>, vector<512x128xf32>,
    return
  }
  func.func @transform_0(%arg0: i32) -> (i32, i32, i32) {
    %c0_i32 = arith.constant 0 : i32
    %c0_i32_0 = arith.constant 0 : i32
    %c0_i32_1 = arith.constant 0 : i32
    return %c0_i32, %arg0, %c0_i32_0 : i32, i32, i32
  }
  func.func @transform_1(%arg0: i32) -> (i32, i32) {
    %c0_i32 = arith.constant 0 : i32
    %c0_i32_0 = arith.constant 0 : i32
    return %arg0, %c0_i32 : i32, i32
  }
  func.func @transform_2(%arg0: i32) -> (i32, i32) {
    %c0_i32 = arith.constant 0 : i32
    %c0_i32_0 = arith.constant 0 : i32
    return %arg0, %c0_i32 : i32, i32
  }
  func.func @transform_3(%arg0: i32) -> (i32, i32) {
    %c0_i32 = arith.constant 0 : i32
    %c0_i32_0 = arith.constant 0 : i32
    %c0_i32_1 = arith.constant 0 : i32
    return %c0_i32, %c0_i32_0 : i32, i32
  }
  func.func @transform_4(%arg0: i32) -> (i32, i32) {
    %c0_i32 = arith.constant 0 : i32
    %c0_i32_0 = arith.constant 0 : i32
    return %arg0, %c0_i32 : i32, i32
  }
}

</mosaic_0001>

<sc_bundles>
// kernel: kernel.6.cloned.1.call-start
scs
__scs_entry_jumppad:
0x0: {  	(pc) =	sbr.rel $0x88, $3  }
0x1: {  	(tag) =	ssettag $0x0;
	lr =	simm.s32 $0x1  }
0x2: {  	[smem:$0x3F9D] =	sst lr;
	_ =	strace $0xD0000000  }
0x3: {  	_ = 	snop  }
0x4: {  	_ = 	snop  }
0x5: {  	_ = 	snop  }
0x6: {  	_ = 	snop  }
0x7: {  	_ = 	snop  }
__scs_overlays_trampoline_lowered:
0x8: {  	[smem:$0x3FAC] =	sst s0  }
0x9: {  	[smem:$0x3FAD] =	sst s1  }
0xa: {  	[smem:$0x3FAE] =	sst s2  }
0xb: {  	[smem:$0x3FAF] =	sst s3  }
0xc: {  	[smem:$0x3FB0] =	sst s4  }
0xd: {  	[smem:$0x3FB1] =	sst s5  }
0xe: {  	[smem:$0x3FB2] =	sst s6  }
0xf: {  	[smem:$0x3FB3] =	sst s7  }
0x10: {  	[smem:$0x3FB4] =	sst s8  }
0x11: {  	[smem:$0x3FB5] =	sst s9;
	s0 =	simm.s32 @!p0 $0x0  }
0x12: {  	s1 =	sld [smem:$0x3F9B];
	s0 =	simm.s32 @p0 $0x1  }
0x13: {  	[smem:$0x3FB6] =	sst s0;
	s0 =	simm.s32 @!p1 $0x0  }
0x14: {  	s2 =	sld [smem:$0x3F9A];
	s0 =	simm.s32 @p1 $0x1  }
0x15: {  	[smem:$0x3FB7] =	sst s0;
	s0 =	simm.s32 @!p2 $0x0  }
0x16: {  	s3 =	sld [smem:$0x3FDB];
	s0 =	simm.s32 @p2 $0x1  }
0x17: {  	s4 =	simm.s32 $0x1BF5;
	[smem:$0x3FB9] =	sst s0  }
0x18: {  	s0 =	sld [smem:$0x3F9C];
	_ =	swait.ge [sflag:s4], $0x0  }
0x19: {  	s7 =	sld [smem:$0x3F9D]  }
0x1a: {  	s8 =	sadd.s32 $0xFFFFE003, lr  }
0x1b: {  	s9 =	sadd.s32 $0xFFFFFEF7, lr;
	s5 =	simm.s32 $0xFFFFFFFF;
	p2 =	slt.u32 s8, $0xFFFFF086  }
0x1c: {  	p1 =	slt.u32 s9, $0xF7A;
	s5 =	simm.s32 @!p2 $0x0  }
0x1d: {  	s5 =	simm.s32 @p1 $0x1;
	p0 =	seq.s32 s7, s2  }
0x1e: {  	s7 =	smul.u32 @!p0 $0xF7A, s2;
	p2 =	seq.s32 @!p0 s5, $0x0  }
0x1f: {  	s9 =	smul.u32 $0xF7A, s1;
	s8 =	simm.s32 @!p0 $0x1BF5;
	p2 =	por !p2, p0  }
0x20: {  	[sflag:s8] =	ssyncset.s32 @!p0 $0xFFFFF086;
	s6 =	sadd.s32 @!p0 s3, s7;
	s7 =	simm.s32 @!p0 $0x108  }
0x21: {  	s3 =	sadd.s32 s3, s9;
	s6 =	sadd.s32 @!p0 $0x88, s6;
	s7 =	simm.s32 @p2 $0x1082  }
0x22: {  	[simem:s7], [sflag:s8] =	dma.local @!p0 [hbm:s6], $0xF7A  }
0x23: {  	s9 =	sor.u32 $0xD0000000, s2;
	s6 =	simm.s32 $0x108;
	_ =	swait.ge @!p0 [sflag:s8], $0x0  }
0x24: {  	s3 =	sadd.s32 $0x88, s3;
	s6 =	simm.s32 @!p1 $0x1082;
	[sflag:s4] =	ssyncset.s32 $0xFFFFF086  }
0x25: {  	[simem:s6], [sflag:s4] =	dma.local [hbm:s3], $0xF7A  }
0x26: {  	[smem:$0x3F9D] =	sst s1;
	(tag) =	ssettag s2;
	_ =	strace s9  }
0x27: {  	s1 =	sld [smem:$0x3FAD]  }
0x28: {  	s2 =	sld [smem:$0x3FAE]  }
0x29: {  	s4 =	sld [smem:$0x3FB0]  }
0x2a: {  	p0 =	seq.s32 s5, $0x0;
	s5 =	sld [smem:$0x3FB1]  }
0x2b: {  	s6 =	sld [smem:$0x3FB2]  }
0x2c: {  	s7 =	sld [smem:$0x3FB3]  }
0x2d: {  	s3 =	simm.s32 $0x108;
	s8 =	sld [smem:$0x3FB4]  }
0x2e: {  	s3 =	simm.s32 @!p0 $0x1082;
	s9 =	sld [smem:$0x3FB5]  }
0x2f: {  	lr =	sadd.s32 s0, s3;
	s0 =	sld [smem:$0x3FAC]  }
0x30: {  	s3 =	sld [smem:$0x3FAF]  }
0x31: {  	[smem:$0x3FB8] =	sst s10  }
0x32: {  	s10 =	sld [smem:$0x3FB6];
	_ =	sdelay $0x3  }
0x33: {  	p0 =	seq.s32 s10, $0x1;
	s10 =	sld [smem:$0x3FB8];
	_ =	sdelay $0x3  }
0x34: {  	[smem:$0x3FB8] =	sst s10  }
0x35: {  	s10 =	sld [smem:$0x3FB7];
	_ =	sdelay $0x3  }
0x36: {  	p1 =	seq.s32 s10, $0x1;
	s10 =	sld [smem:$0x3FB8];
	_ =	sdelay $0x3  }
0x37: {  	[smem:$0x3FB8] =	sst s10  }
0x38: {  	s10 =	sld [smem:$0x3FB9]  }
0x39: {  	_ = 	snop;
	(pc) =	sbr.ind lr, $3  }
0x3a: {  	_ = 	snop  }
0x3b: {  	_ = 	snop  }
0x3c: {  	p2 =	seq.s32 s10, $0x1;
	s10 =	sld [smem:$0x3FB8]  }
0x3d: {  	_ =	shalt  }
0x3e: {  	_ =	shalt  }
0x3f: {  	_ =	shalt  }
0x40: {  	_ =	shalt  }
0x41: {  	_ =	shalt  }
0x42: {  	_ =	shalt  }
0x43: {  	_ =	shalt  }
0x44: {  	_ =	shalt  }
0x45: {  	_ =	shalt  }
0x46: {  	_ =	shalt  }
0x47: {  	_ =	shalt  }
0x48: {  	_ =	shalt  }
0x49: {  	_ =	shalt  }
0x4a: {  	_ =	shalt  }
0x4b: {  	_ =	shalt  }
0x4c: {  	_ =	shalt  }
0x4d: {  	_ =	shalt  }
0x4e: {  	_ =	shalt  }
0x4f: {  	_ =	shalt  }
0x50: {  	_ =	shalt  }
0x51: {  	_ =	shalt  }
0x52: {  	_ =	shalt  }
0x53: {  	_ =	shalt  }
0x54: {  	_ =	shalt  }
0x55: {  	_ =	shalt  }
0x56: {  	_ =	shalt  }
0x57: {  	_ =	shalt  }
0x58: {  	_ =	shalt  }
0x59: {  	_ =	shalt  }
0x5a: {  	_ =	shalt  }
0x5b: {  	_ =	shalt  }
0x5c: {  	_ =	shalt  }
0x5d: {  	_ =	shalt  }
0x5e: {  	_ =	shalt  }
0x5f: {  	_ =	shalt  }
0x60: {  	_ =	shalt  }
0x61: {  	_ =	shalt  }
0x62: {  	_ =	shalt  }
0x63: {  	_ =	shalt  }
0x64: {  	_ =	shalt  }
0x65: {  	_ =	shalt  }
0x66: {  	_ =	shalt  }
0x67: {  	_ =	shalt  }
0x68: {  	_ =	shalt  }
0x69: {  	_ =	shalt  }
0x6a: {  	_ =	shalt  }
0x6b: {  	_ =	shalt  }
0x6c: {  	_ =	shalt  }
0x6d: {  	_ =	shalt  }
0x6e: {  	_ =	shalt  }
0x6f: {  	_ =	shalt  }
0x70: {  	_ =	shalt  }
0x71: {  	_ =	shalt  }
0x72: {  	_ =	shalt  }
0x73: {  	_ =	shalt  }
0x74: {  	_ =	shalt  }
0x75: {  	_ =	shalt  }
0x76: {  	_ =	shalt  }
0x77: {  	_ =	shalt  }
0x78: {  	_ =	shalt  }
0x79: {  	_ =	shalt  }
0x7a: {  	_ =	shalt  }
0x7b: {  	_ =	shalt  }
0x7c: {  	_ =	shalt  }
0x7d: {  	_ =	shalt  }
0x7e: {  	_ =	shalt  }
0x7f: {  	_ =	shalt  }
0x80: {  	_ =	shalt  }
0x81: {  	_ =	shalt  }
0x82: {  	_ =	shalt  }
0x83: {  	_ =	shalt  }
0x84: {  	_ =	shalt  }
0x85: {  	_ =	shalt  }
0x86: {  	_ =	shalt  }
0x87: {  	_ =	shalt  }
.Lfunc_end0:
.L_simem_size_0:
called_computation_lowered:
.L_overlay_start_0:
0x88: {  	s2 =	sld [smem:$0x3FD9]  }
0x89: {  	s3 =	sld [smem:$0x3FFE];
	_ =	sdelay $0x1  }
0x8a: {  	s1 =	srdreg.scid  }
0x8b: {  	s0 =	sand.u32 $0x1, s1  }
0x8c: {  	s16 =	sshll.u32 s0, $0xA;
	s2 =	sadd.s32 s3, s2  }
0x8d: {  	s2 =	sadd.s32 s2, s16  }
0x8e: {  	[smem:$0x3FC4] =	sst s2  }
0x8f: {  	_ = 	snop  }
0x90: {  	(tm) =	ssettm $0x1  }
0x91: {  	s17 =	sld [smem:$0x3FFB];
	_ =	sdelay $0x3  }
0x92: {  	_ =	strace s17  }
0x93: {  	s2 =	sld [smem:$0x3FFC];
	_ =	sdelay $0x3  }
0x94: {  	_ =	strace s2  }
0x95: {  	s2 =	sld [smem:$0x3FFD];
	_ =	sdelay $0x3  }
0x96: {  	_ =	strace s2  }
0x97: {  	_ =	strace $0x8FFFFFFF  }
0x98: {  	s18 =	sld [smem:$0x3FDB];
	_ =	sdelay $0x1  }
0x99: {  	s19 =	simm.s32 $_scs_section_size  }
0x9a: {  	s4 =	simm.s32 $_size__tile_overlayer_lowered;
	s5 =	simm.s32 $_tile_overlayer_lowered  }
0x9b: {  	s22 =	simm.s32 $0x1BFF;
	s21 =	sshll.u32 s5, $0x1;
	s2 =	sadd.s32 s19, s18  }
0x9c: {  	s6 =	simm.s32 $0x0;
	s20 =	sshll.u32 s4, $0x1;
	s4 =	sadd.s32 s21, s2  }
0x9d: {  	[timem:s6], [sflag:s22] =	dma.local [hbm:s4], s20  }
0x9e: {  	_ =	swait.ge [sflag:s22], s20  }
0x9f: {  	s3 =	ssub.s32 $0x0, s20;
	[sflag:s22] =	ssyncset.done $0x0  }
0xa0: {  	[sflag:s22] =	ssyncadd.s32 s3;
	_ =	sdelay $0x1  }
0xa1: {  	s23 =	simm.s32 $0x1B8B  }
0xa2: {  	_ =	swait.ge [sflag:s23], $0x1  }
0xa3: {  	[sflag:s23] =	ssyncset.done $0x0  }
0xa4: {  	s25 =	simm.s32 $0x1B8E;
	s24 =	sld [smem:$0x3FFE];
	[sflag:s23] =	ssyncadd.s32 $0xFFFFFFFF  }
0xa5: {  	s26 =	simm.s32 $execute0_lowered;
	[smem:$0x3FD2] =	sst s25  }
0xa6: {  	s4 =	sshll.u32 s26, $0x1;
	_ =	strace $0x80000046;
	[dreg:$0x1] =	wrdreg $0xFFFFFFFF  }
0xa7: {  	s28 =	simm.s32 $_size_execute0_lowered;
	s2 =	sadd.s32 s2, s4;
	[dreg:$0x0] =	wrdreg $0x0  }
0xa8: {  	s4 =	sshll.u32 s28, $0x1;
	[dreg:$0x2] =	wrdreg s2  }
0xa9: {  	[dreg:$0x3] =	wrdreg s4  }
0xaa: {  	[dreg:$0x4] =	wrdreg $0xC0  }
0xab: {  	_ =	task [dreg:s6], $0x5FFFF  }
0xac: {  	[dreg:$0x1] =	wrdreg $0xFFFFFFFF  }
0xad: {  	[dreg:$0x0] =	wrdreg $0x60  }
0xae: {  	[dreg:$0x2] =	wrdreg s24  }
0xaf: {  	[dreg:$0x3] =	wrdreg $0x9  }
0xb0: {  	_ =	task.clear_ibuf [dreg:s6], $0x4FFFF;
	_ =	strace $0x90000046  }
0xb1: {  	s29 =	simm.s32 $0x9;
	_ =	strace $0x80000048  }
0xb2: {  	_ =	swait.ge [sflag:s29], $0x1  }
0xb3: {  	[sflag:s29] =	ssyncadd.s32 $0xFFFFFFFF  }
0xb4: {  	_ =	strace $0x90000048  }
0xb5: {  	_ =	sfence  }
0xb6: {  	s30 =	sld [smem:$0x0];
	_ =	sdelay $0x2  }
0xb7: {  	s31 =	sshll.u32 s1, $0xD;
	s1 =	sshrl.u32 s1, $0x2  }
0xb8: {  	s3 =	sand.u32 $0x4000, s31;
	s1 =	sadd.s32 s1, s30  }
0xb9: {  	s0 =	sor.u32 s3, s0;
	s1 =	sshll.u32 s1, $0x11  }
0xba: {  	s0 =	sor.u32 s1, s0  }
0xbb: {  	s0 =	sadd.s32 $0x8F2B, s0  }
0xbc: {  	[sflag:s0] =	ssyncadd.remote.s32 $0x1  }
0xbd: {  	_ =	sfence.sel $0xFFFF  }
0xbe: {  	[dreg:$0x0] =	wrdreg $0xFFFFFFFF;
	(pc) =	sbr.abs _section_cstart, $3  }
0xbf: {  	[dreg:$0x1] =	wrdreg $0xFFFFFFFF  }
0xc0: {  	_ =	task.clear_ibuf [dreg:s6], $0x2FFFF;
	_ =	strace $0x9FFFFFFF  }
0xc1: {  	(tm) =	ssettm $0x7FFFFFFF  }
tec
execute0_lowered:
.L_overlay_start_1:
0x0: {  	(tag) =	ssettag $0x1  }
0x1: {  	s1 =	srdreg.scid  }
0x2: {  	s0 =	stileid.u32;
	s5 =	rddreg [dreg:$0x0]  }
0x3: {  	s2 =	simm.s32 $0x0;
	s8 =	simm.s32 $0x80;
	s9 =	simm.s32 $0x400  }
0x4: {  	s10 =	simm.s32 $0x0;
	s3 =	sand.u32 $0x1, s1;
	s29 =	sshll.u32 s0, $0x1  }
0x5: {  	s30 =	sshrl.u32 s0, $0x2;
	s1 =	rddreg [dreg:$0x1];
	s4 =	sor.u32 s3, s29  }
0x6: {  	[smem:$0x7FF] =	sst s2;
	s6 =	smul.u32 $0x14000, s30;
	s7 =	sshll.u32 s4, $0x7  }
0x7: {  	s3 =	ssub.s32 $0x2, s3;
	s4 =	smul.u32 $0x500, s4;
	s7 =	sand.u32 $0x380, s7  }
0x8: {  	_ =	strace $0x80000047;
	s31 =	sshrl.u32 s3, $0x1;
	s6 =	sor.u32 s6, s7  }
0x9: {  	s4 =	sadd.s32 s4, s5;
	s7 =	simm.s32 $0x2800;
	s6 =	sshrl.u32 s6, $0x3  }
0xa: {  	s5 =	sadd.s32 s6, s5;
	s6 =	ssub.s32 s3, s31;
	s3 =	sadd.s32 $0x1E00, s4  }
0xb: {  	v0 =	vimm.f32 $0.0e+00;
	v1 =	vimm.f32 $1.000000000e+00;
	s4 =	sadd.s32 $0xBE00, s5;
	s5 =	smax.u32 s6, $0x1;
	s6 =	simm.s32 $0x1  }
.LBB2_1:
0xc: {  	[tilespmem:s2], [sflag:$0x1] =	stream.linear.gather [hbm4b:s3+s2], $0x2800, $0x38;
	[tilespmem:$0x5000] =	vst v63  }
0xd: {  	_ =	swait.ge [sflag:s6], $0x2800  }
0xe: {  	[sflag:s6] =	ssyncset.done $0x0  }
0xf: {  	s11 =	simm.s32 $0x0;
	[sflag:s6] =	ssyncadd.s32 $0xFFFFD800  }
.LBB2_2:
0x10: {  	p0 =	sne.s32 s11, $0x9FC0  }
.Ltmp0:
0x11: {  	_ = 	snop;
	(pc) =	sbr.rel @p0 .LBB2_2-.Ltmp0, $3  }
0x12: {  	_ =	sdelay $0x1  }
0x13: {  	s12 =	sshra.s32 s11, $0x2  }
0x14: {  	s11 =	sadd.s32 $0x40, s11;
	[tilespmem:s12+$0x2800] =	vst v0  }
0x15: {  	s12 =	simm.s32 $0x0;
	s11 =	simm.s32 $0x40  }
.LBB2_4:
0x16: {  	p0 =	sne.s32 s11, $0x9FC0;
	v2 =	vld [tilespmem:s12+$0x0];
	_ =	sdelay $0x3  }
.Ltmp1:
0x17: {  	(pc) =	sbr.rel @p0 .LBB2_4-.Ltmp1, $2  }
0x18: {  	_ =	sdelay $0x2  }
0x19: {  	s12 =	sshra.s32 s11, $0x2;
	s11 =	sadd.s32 $0x40, s11;
	[tilespmem:v2+s7+$0x0] =	vst.idx.add.f32.msk $0xffff, v1  }
0x1a: {  	v2 =	vld [tilespmem:s12+$0x0];
	_ =	sdelay $0x5  }
0x1b: {  	s10 =	sadd.s32 $0x1, s10  }
0x1c: {  	p0 =	sne.s32 s10, s5  }
.Ltmp2:
0x1d: {  	[tilespmem:v2+s7+$0x0] =	vst.idx.add.f32.msk $0xffff, v1;
	(pc) =	sbr.rel @p0 .LBB2_1-.Ltmp2, $4  }
0x1e: {  	[hbm4b:s4+s8] =	stream.strided.scatter [tilespmem:s7], [sflag:$0x1], $0x2800, s9, s8, $0x38;
	[tilespmem:$0x5000] =	vst v63  }
0x1f: {  	_ =	swait.ge [sflag:s6], $0x2800  }
0x20: {  	[sflag:s6] =	ssyncset.done $0x0  }
0x21: {  	[sflag:s6] =	ssyncadd.s32 $0xFFFFD800  }
0x22: {  	_ =	sfence.sel $0x180000  }
0x23: {  	[bflag:$0x0] =	sbarrier.arrive $0xFFFF  }
0x24: {  	p0 =	sne.s32 s0, $0x0;
	_ =	strace $0x90000047  }
0x25: {  	s0 =	sadd.s32 @!p0 $0x100000, s1;
	[bflag:$0x2] =	sbarrier.arrive $0xFFFF  }
0x26: {  	[sflag:s0] =	ssyncadd.tile.s32 @!p0 $0x1;
	_ =	shalt  }
.Lfunc_end2:
_tile_overlayer_lowered:
.L_overlay_start_2:
0x27: {  	(tag) =	ssettag $0x2  }
0x28: {  	s0 =	rddreg [dreg:$0x0];
	s2 =	stileid.u32  }
0x29: {  	s1 =	rddreg [dreg:$0x1];
	p0 =	sne.s32 s2, $0x0  }
0x2a: {  	s3 =	rddreg [dreg:$0x2];
	[bflag:$0x3] =	sbarrier.arrive $0xFFFF;
	s2 =	simm.s32 @!p0 $0x1C01  }
0x2b: {  	[timem:s3], [sflag:s2] =	dma.local @!p0 [hbm:s0], s1  }
0x2c: {  	s0 =	simm.s32 @!p0 $0x1  }
0x2d: {  	_ =	swait.ge @!p0 [sflag:s0], s1  }
0x2e: {  	s1 =	ssub.s32 @!p0 $0x0, s1;
	[sflag:s0] =	ssyncset.done @!p0 $0x0  }
0x2f: {  	[sflag:s0] =	ssyncadd.s32 @!p0 s1  }
0x30: {  	[bflag:$0x3] =	sbarrier.arrive $0xFFFF  }
0x31: {  	_ =	shalt  }

// kernel: kernel.9.cloned.1.call-start
scs
__scs_entry_jumppad:
0x0: {  	(pc) =	sbr.rel $0x88, $3  }
0x1: {  	(tag) =	ssettag $0x0;
	lr =	simm.s32 $0x1  }
0x2: {  	[smem:$0x3F9D] =	sst lr;
	_ =	strace $0xD0000000  }
0x3: {  	_ = 	snop  }
0x4: {  	_ = 	snop  }
0x5: {  	_ = 	snop  }
0x6: {  	_ = 	snop  }
0x7: {  	_ = 	snop  }
__scs_overlays_trampoline_lowered:
0x8: {  	[smem:$0x3FAC] =	sst s0  }
0x9: {  	[smem:$0x3FAD] =	sst s1  }
0xa: {  	[smem:$0x3FAE] =	sst s2  }
0xb: {  	[smem:$0x3FAF] =	sst s3  }
0xc: {  	[smem:$0x3FB0] =	sst s4  }
0xd: {  	[smem:$0x3FB1] =	sst s5  }
0xe: {  	[smem:$0x3FB2] =	sst s6  }
0xf: {  	[smem:$0x3FB3] =	sst s7  }
0x10: {  	[smem:$0x3FB4] =	sst s8  }
0x11: {  	[smem:$0x3FB5] =	sst s9;
	s0 =	simm.s32 @!p0 $0x0  }
0x12: {  	s1 =	sld [smem:$0x3F9B];
	s0 =	simm.s32 @p0 $0x1  }
0x13: {  	[smem:$0x3FB6] =	sst s0;
	s0 =	simm.s32 @!p1 $0x0  }
0x14: {  	s2 =	sld [smem:$0x3F9A];
	s0 =	simm.s32 @p1 $0x1  }
0x15: {  	[smem:$0x3FB7] =	sst s0;
	s0 =	simm.s32 @!p2 $0x0  }
0x16: {  	s3 =	sld [smem:$0x3FDB];
	s0 =	simm.s32 @p2 $0x1  }
0x17: {  	s4 =	simm.s32 $0x1BF5;
	[smem:$0x3FB9] =	sst s0  }
0x18: {  	s0 =	sld [smem:$0x3F9C];
	_ =	swait.ge [sflag:s4], $0x0  }
0x19: {  	s7 =	sld [smem:$0x3F9D]  }
0x1a: {  	s8 =	sadd.s32 $0xFFFFE003, lr  }
0x1b: {  	s9 =	sadd.s32 $0xFFFFFEF7, lr;
	s5 =	simm.s32 $0xFFFFFFFF;
	p2 =	slt.u32 s8, $0xFFFFF086  }
0x1c: {  	p1 =	slt.u32 s9, $0xF7A;
	s5 =	simm.s32 @!p2 $0x0  }
0x1d: {  	s5 =	simm.s32 @p1 $0x1;
	p0 =	seq.s32 s7, s2  }
0x1e: {  	s7 =	smul.u32 @!p0 $0xF7A, s2;
	p2 =	seq.s32 @!p0 s5, $0x0  }
0x1f: {  	s9 =	smul.u32 $0xF7A, s1;
	s8 =	simm.s32 @!p0 $0x1BF5;
	p2 =	por !p2, p0  }
0x20: {  	[sflag:s8] =	ssyncset.s32 @!p0 $0xFFFFF086;
	s6 =	sadd.s32 @!p0 s3, s7;
	s7 =	simm.s32 @!p0 $0x108  }
0x21: {  	s3 =	sadd.s32 s3, s9;
	s6 =	sadd.s32 @!p0 $0x88, s6;
	s7 =	simm.s32 @p2 $0x1082  }
0x22: {  	[simem:s7], [sflag:s8] =	dma.local @!p0 [hbm:s6], $0xF7A  }
0x23: {  	s9 =	sor.u32 $0xD0000000, s2;
	s6 =	simm.s32 $0x108;
	_ =	swait.ge @!p0 [sflag:s8], $0x0  }
0x24: {  	s3 =	sadd.s32 $0x88, s3;
	s6 =	simm.s32 @!p1 $0x1082;
	[sflag:s4] =	ssyncset.s32 $0xFFFFF086  }
0x25: {  	[simem:s6], [sflag:s4] =	dma.local [hbm:s3], $0xF7A  }
0x26: {  	[smem:$0x3F9D] =	sst s1;
	(tag) =	ssettag s2;
	_ =	strace s9  }
0x27: {  	s1 =	sld [smem:$0x3FAD]  }
0x28: {  	s2 =	sld [smem:$0x3FAE]  }
0x29: {  	s4 =	sld [smem:$0x3FB0]  }
0x2a: {  	p0 =	seq.s32 s5, $0x0;
	s5 =	sld [smem:$0x3FB1]  }
0x2b: {  	s6 =	sld [smem:$0x3FB2]  }
0x2c: {  	s7 =	sld [smem:$0x3FB3]  }
0x2d: {  	s3 =	simm.s32 $0x108;
	s8 =	sld [smem:$0x3FB4]  }
0x2e: {  	s3 =	simm.s32 @!p0 $0x1082;
	s9 =	sld [smem:$0x3FB5]  }
0x2f: {  	lr =	sadd.s32 s0, s3;
	s0 =	sld [smem:$0x3FAC]  }
0x30: {  	s3 =	sld [smem:$0x3FAF]  }
0x31: {  	[smem:$0x3FB8] =	sst s10  }
0x32: {  	s10 =	sld [smem:$0x3FB6];
	_ =	sdelay $0x3  }
0x33: {  	p0 =	seq.s32 s10, $0x1;
	s10 =	sld [smem:$0x3FB8];
	_ =	sdelay $0x3  }
0x34: {  	[smem:$0x3FB8] =	sst s10  }
0x35: {  	s10 =	sld [smem:$0x3FB7];
	_ =	sdelay $0x3  }
0x36: {  	p1 =	seq.s32 s10, $0x1;
	s10 =	sld [smem:$0x3FB8];
	_ =	sdelay $0x3  }
0x37: {  	[smem:$0x3FB8] =	sst s10  }
0x38: {  	s10 =	sld [smem:$0x3FB9]  }
0x39: {  	_ = 	snop;
	(pc) =	sbr.ind lr, $3  }
0x3a: {  	_ = 	snop  }
0x3b: {  	_ = 	snop  }
0x3c: {  	p2 =	seq.s32 s10, $0x1;
	s10 =	sld [smem:$0x3FB8]  }
0x3d: {  	_ =	shalt  }
0x3e: {  	_ =	shalt  }
0x3f: {  	_ =	shalt  }
0x40: {  	_ =	shalt  }
0x41: {  	_ =	shalt  }
0x42: {  	_ =	shalt  }
0x43: {  	_ =	shalt  }
0x44: {  	_ =	shalt  }
0x45: {  	_ =	shalt  }
0x46: {  	_ =	shalt  }
0x47: {  	_ =	shalt  }
0x48: {  	_ =	shalt  }
0x49: {  	_ =	shalt  }
0x4a: {  	_ =	shalt  }
0x4b: {  	_ =	shalt  }
0x4c: {  	_ =	shalt  }
0x4d: {  	_ =	shalt  }
0x4e: {  	_ =	shalt  }
0x4f: {  	_ =	shalt  }
0x50: {  	_ =	shalt  }
0x51: {  	_ =	shalt  }
0x52: {  	_ =	shalt  }
0x53: {  	_ =	shalt  }
0x54: {  	_ =	shalt  }
0x55: {  	_ =	shalt  }
0x56: {  	_ =	shalt  }
0x57: {  	_ =	shalt  }
0x58: {  	_ =	shalt  }
0x59: {  	_ =	shalt  }
0x5a: {  	_ =	shalt  }
0x5b: {  	_ =	shalt  }
0x5c: {  	_ =	shalt  }
0x5d: {  	_ =	shalt  }
0x5e: {  	_ =	shalt  }
0x5f: {  	_ =	shalt  }
0x60: {  	_ =	shalt  }
0x61: {  	_ =	shalt  }
0x62: {  	_ =	shalt  }
0x63: {  	_ =	shalt  }
0x64: {  	_ =	shalt  }
0x65: {  	_ =	shalt  }
0x66: {  	_ =	shalt  }
0x67: {  	_ =	shalt  }
0x68: {  	_ =	shalt  }
0x69: {  	_ =	shalt  }
0x6a: {  	_ =	shalt  }
0x6b: {  	_ =	shalt  }
0x6c: {  	_ =	shalt  }
0x6d: {  	_ =	shalt  }
0x6e: {  	_ =	shalt  }
0x6f: {  	_ =	shalt  }
0x70: {  	_ =	shalt  }
0x71: {  	_ =	shalt  }
0x72: {  	_ =	shalt  }
0x73: {  	_ =	shalt  }
0x74: {  	_ =	shalt  }
0x75: {  	_ =	shalt  }
0x76: {  	_ =	shalt  }
0x77: {  	_ =	shalt  }
0x78: {  	_ =	shalt  }
0x79: {  	_ =	shalt  }
0x7a: {  	_ =	shalt  }
0x7b: {  	_ =	shalt  }
0x7c: {  	_ =	shalt  }
0x7d: {  	_ =	shalt  }
0x7e: {  	_ =	shalt  }
0x7f: {  	_ =	shalt  }
0x80: {  	_ =	shalt  }
0x81: {  	_ =	shalt  }
0x82: {  	_ =	shalt  }
0x83: {  	_ =	shalt  }
0x84: {  	_ =	shalt  }
0x85: {  	_ =	shalt  }
0x86: {  	_ =	shalt  }
0x87: {  	_ =	shalt  }
.Lfunc_end0:
.L_simem_size_0:
called_computation.1_lowered:
.L_overlay_start_0:
0x88: {  	s2 =	sld [smem:$0x3FD9]  }
0x89: {  	s3 =	sld [smem:$0x3FFE];
	_ =	sdelay $0x1  }
0x8a: {  	s1 =	srdreg.scid  }
0x8b: {  	s0 =	sand.u32 $0x1, s1  }
0x8c: {  	s17 =	sshll.u32 s0, $0xA;
	s2 =	sadd.s32 s3, s2  }
0x8d: {  	s2 =	sadd.s32 s2, s17  }
0x8e: {  	[smem:$0x3FC4] =	sst s2  }
0x8f: {  	_ = 	snop  }
0x90: {  	s2 =	sld [smem:$0x3FD0];
	(tm) =	ssettm $0x1  }
0x91: {  	s18 =	sld [smem:$0x3FFB];
	_ =	sdelay $0x3  }
0x92: {  	_ =	strace s18  }
0x93: {  	s3 =	sld [smem:$0x3FFC];
	_ =	sdelay $0x3  }
0x94: {  	_ =	strace s3  }
0x95: {  	s3 =	sld [smem:$0x3FFD];
	_ =	sdelay $0x3  }
0x96: {  	_ =	strace s3  }
0x97: {  	_ =	strace $0x8FFFFFFF  }
0x98: {  	s19 =	sld [smem:$0x3FDB];
	_ =	sdelay $0x1  }
0x99: {  	s4 =	simm.s32 $_scs_section_size  }
0x9a: {  	s5 =	simm.s32 $_size__tile_overlayer_lowered;
	s6 =	simm.s32 $_tile_overlayer_lowered  }
0x9b: {  	s22 =	simm.s32 $0x1BFF;
	s21 =	sshll.u32 s6, $0x1;
	s3 =	sadd.s32 s4, s19  }
0x9c: {  	s7 =	simm.s32 $0x0;
	s20 =	sshll.u32 s5, $0x1;
	s5 =	sadd.s32 s21, s3  }
0x9d: {  	[timem:s7], [sflag:s22] =	dma.local [hbm:s5], s20  }
0x9e: {  	_ =	swait.ge [sflag:s22], s20  }
0x9f: {  	s4 =	ssub.s32 $0x0, s20;
	[sflag:s22] =	ssyncset.done $0x0  }
0xa0: {  	[sflag:s22] =	ssyncadd.s32 s4;
	_ =	sdelay $0x1  }
0xa1: {  	s23 =	simm.s32 $0x1B8B  }
0xa2: {  	_ =	swait.ge [sflag:s23], $0x1  }
0xa3: {  	[sflag:s23] =	ssyncset.done $0x0  }
0xa4: {  	s25 =	simm.s32 $0x1B8E;
	s24 =	sld [smem:$0x3FFE];
	[sflag:s23] =	ssyncadd.s32 $0xFFFFFFFF  }
0xa5: {  	s26 =	simm.s32 $execute0_lowered;
	[smem:$0x3FD2] =	sst s25  }
0xa6: {  	s5 =	sshll.u32 s26, $0x1;
	_ =	strace $0x80000049;
	[dreg:$0x1] =	wrdreg $0xFFFFFFFF  }
0xa7: {  	s28 =	simm.s32 $_size_execute0_lowered;
	s3 =	sadd.s32 s3, s5;
	[dreg:$0x0] =	wrdreg $0x0  }
0xa8: {  	s5 =	sshll.u32 s28, $0x1;
	[dreg:$0x2] =	wrdreg s3  }
0xa9: {  	[dreg:$0x3] =	wrdreg s5  }
0xaa: {  	[dreg:$0x4] =	wrdreg $0xC0  }
0xab: {  	_ =	task [dreg:s7], $0x5FFFF  }
0xac: {  	[dreg:$0x1] =	wrdreg $0xFFFFFFFF  }
0xad: {  	[dreg:$0x0] =	wrdreg $0x60  }
0xae: {  	[dreg:$0x2] =	wrdreg s24  }
0xaf: {  	[dreg:$0x3] =	wrdreg s2  }
0xb0: {  	[dreg:$0x4] =	wrdreg $0xB0000  }
0xb1: {  	[dreg:$0x5] =	wrdreg $0x9  }
0xb2: {  	_ =	task.clear_ibuf [dreg:s7], $0x6FFFF;
	_ =	strace $0x90000049  }
0xb3: {  	s29 =	simm.s32 $0x9;
	_ =	strace $0x8000004B  }
0xb4: {  	_ =	swait.ge [sflag:s29], $0x1  }
0xb5: {  	[sflag:s29] =	ssyncadd.s32 $0xFFFFFFFF  }
0xb6: {  	_ =	strace $0x9000004B  }
0xb7: {  	_ =	sfence  }
0xb8: {  	s30 =	sld [smem:$0x0];
	_ =	sdelay $0x2  }
0xb9: {  	s31 =	sshll.u32 s1, $0xD;
	s1 =	sshrl.u32 s1, $0x2  }
0xba: {  	s3 =	sand.u32 $0x4000, s31;
	s1 =	sadd.s32 s1, s30  }
0xbb: {  	s0 =	sor.u32 s3, s0;
	s1 =	sshll.u32 s1, $0x11  }
0xbc: {  	s0 =	sor.u32 s1, s0  }
0xbd: {  	s0 =	sadd.s32 $0x8F2B, s0  }
0xbe: {  	[sflag:s0] =	ssyncadd.remote.s32 $0x1  }
0xbf: {  	_ =	sfence.sel $0xFFFF  }
0xc0: {  	[dreg:$0x0] =	wrdreg $0xFFFFFFFF;
	(pc) =	sbr.abs _section_cstart, $3  }
0xc1: {  	[dreg:$0x1] =	wrdreg $0xFFFFFFFF  }
0xc2: {  	_ =	task.clear_ibuf [dreg:s7], $0x2FFFF;
	_ =	strace $0x9FFFFFFF  }
0xc3: {  	(tm) =	ssettm $0x7FFFFFFF  }
tec
execute0_lowered:
.L_overlay_start_1:
0x0: {  	(tag) =	ssettag $0x1  }
0x1: {  	s6 =	rddreg [dreg:$0x0]  }
0x2: {  	s7 =	rddreg [dreg:$0x1]  }
0x3: {  	s1 =	rddreg [dreg:$0x2]  }
0x4: {  	s2 =	srdreg.scid;
	s0 =	rddreg [dreg:$0x3]  }
0x5: {  	s3 =	simm.s32 $0x0;
	s22 =	simm.s32 $0x100;
	s24 =	simm.s32 $0x180  }
0x6: {  	s25 =	simm.s32 $0x200;
	s26 =	simm.s32 $0x280;
	[smem:$0x7FF] =	sst s3  }
0x7: {  	s28 =	simm.s32 $0x300;
	_ =	strace $0x8000004A;
	[dreg:$0x5] =	wrdreg s22  }
0x8: {  	s8 =	sand.u32 $0x1, s2;
	s2 =	stileid.u32;
	[dreg:$0x6] =	wrdreg s24  }
0x9: {  	s29 =	simm.s32 $0x380;
	s5 =	smul.u32 $0x140000, s8;
	[dreg:$0x7] =	wrdreg s25  }
0xa: {  	s30 =	simm.s32 $0x400;
	s9 =	smul.u32 $0x14000, s2;
	[dreg:$0x8] =	wrdreg s26  }
0xb: {  	s31 =	simm.s32 $0x480;
	s11 =	smul.u32 $0x50000, s2;
	[dreg:$0x9] =	wrdreg s28  }
0xc: {  	s4 =	sshll.u32 s2, $0x1;
	s20 =	smul.u32 $0xA00, s2;
	[dreg:$0xa] =	wrdreg s29  }
0xd: {  	s17 =	ssub.s32 $0x2, s8;
	s15 =	smul.u32 $0x500, s8;
	[dreg:$0xb] =	wrdreg s30  }
0xe: {  	s23 =	sshll.u32 s2, $0x6;
	[dreg:$0xc] =	wrdreg s31;
	s22 =	simm.s32 $0x700  }
0xf: {  	s10 =	sor.u32 s8, s4;
	s4 =	sadd.s32 $0xBE00, s6;
	s18 =	sshrl.u32 s17, $0x1  }
0x10: {  	[dreg:$0x11] =	wrdreg s22;
	s22 =	simm.s32 $0x4;
	s10 =	smul.u32 $0x500, s10  }
0x11: {  	s5 =	sadd.s32 s9, s5;
	s9 =	ssub.s32 s17, s18;
	s19 =	sshrl.u32 s11, $0x2  }
0x12: {  	s18 =	simm.s32 $0x500;
	s5 =	sshrl.u32 s5, $0x3;
	s11 =	sadd.s32 s19, s1  }
0x13: {  	s8 =	smax.u32 s9, $0x1;
	s9 =	simm.s32 $0x5;
	[dreg:$0xd] =	wrdreg s18  }
0x14: {  	s19 =	simm.s32 $0x580;
	s18 =	simm.s32 $0x1;
	s10 =	sadd.s32 s10, s6  }
0x15: {  	s12 =	sadd.s32 s5, s6;
	s6 =	sadd.s32 $0x33600, s6;
	s13 =	sadd.s32 $0x4000, s11  }
0x16: {  	s14 =	sadd.s32 $0x8000, s11;
	s16 =	sadd.s32 $0xC000, s11;
	s17 =	sadd.s32 $0x10000, s11  }
0x17: {  	s11 =	sshrl.u32 s11, $0x3;
	[dreg:$0xe] =	wrdreg s19;
	s19 =	simm.s32 $0x3000  }
0x18: {  	s5 =	sadd.s32 $0x1E00, s10;
	s10 =	sadd.s32 s20, s7;
	s7 =	sadd.s32 $0x33E00, s12  }
0x19: {  	s12 =	sshrl.u32 s13, $0x3;
	s13 =	sshrl.u32 s14, $0x3;
	s14 =	sshrl.u32 s16, $0x3  }
0x1a: {  	s16 =	simm.s32 $0x80;
	s20 =	simm.s32 $0x600;
	s21 =	sadd.s32 s15, s10  }
0x1b: {  	s10 =	sor.u32 $0x1C05, s23;
	s15 =	sshrl.u32 s17, $0x3;
	[dreg:$0xf] =	wrdreg s20  }
0x1c: {  	s17 =	simm.s32 $0x7000;
	s23 =	simm.s32 $0x780;
	[dreg:$0x4] =	wrdreg s21  }
0x1d: {  	s20 =	simm.s32 $0x3;
	s21 =	simm.s32 $0x680;
	[dreg:$0x12] =	wrdreg s23  }
0x1e: {  	s23 =	simm.s32 $0x0;
	[dreg:$0x10] =	wrdreg s21;
	s21 =	simm.s32 $0x2  }
.LBB2_1:
0x1f: {  	s24 =	simm.s32 $0x800  }
0x20: {  	[tilespmem:s24], [sflag:$0x5] =	stream.linear.gather [hbm4b:s5+s3], $0x2800, $0x38;
	[tilespmem:$0x1F000] =	vst v63  }
0x21: {  	_ =	swait.ge [sflag:s9], $0x2800  }
0x22: {  	[sflag:s9] =	ssyncset.done $0x0  }
0x23: {  	[sflag:s9] =	ssyncadd.s32 $0xFFFFD800  }
0x24: {  	[spmem:s11], [sflag:s10] =	dma.local [hbm:s6], $0x800  }
0x25: {  	_ =	swait.ge [sflag:s9], $0x800  }
0x26: {  	[sflag:s9] =	ssyncset.done $0x0  }
0x27: {  	[sflag:s9] =	ssyncadd.s32 $0xFFFFF800  }
0x28: {  	[spmem:s12], [sflag:s10] =	dma.local [hbm:s6], $0x800  }
0x29: {  	_ =	swait.ge [sflag:s9], $0x800  }
0x2a: {  	[sflag:s9] =	ssyncset.done $0x0  }
0x2b: {  	[sflag:s9] =	ssyncadd.s32 $0xFFFFF800  }
0x2c: {  	[spmem:s13], [sflag:s10] =	dma.local [hbm:s6], $0x800  }
0x2d: {  	_ =	swait.ge [sflag:s9], $0x800  }
0x2e: {  	[sflag:s9] =	ssyncset.done $0x0  }
0x2f: {  	[sflag:s9] =	ssyncadd.s32 $0xFFFFF800  }
0x30: {  	[spmem:s14], [sflag:s10] =	dma.local [hbm:s6], $0x800  }
0x31: {  	_ =	swait.ge [sflag:s9], $0x800  }
0x32: {  	[sflag:s9] =	ssyncset.done $0x0  }
0x33: {  	[sflag:s9] =	ssyncadd.s32 $0xFFFFF800  }
0x34: {  	[spmem:s15], [sflag:s10] =	dma.local [hbm:s6], $0x800  }
0x35: {  	_ =	swait.ge [sflag:s9], $0x800  }
0x36: {  	[sflag:s9] =	ssyncset.done $0x0  }
0x37: {  	[sflag:s9] =	ssyncadd.s32 $0xFFFFF800  }
0x38: {  	[bflag:$0x0] =	sbarrier.arrive $0xFFFF  }
0x39: {  	s25 =	rddreg [dreg:$0x4]  }
0x3a: {  	s25 =	sadd.s32 $0x0, s25  }
0x3b: {  	[tilespmem:s3], [sflag:$0x5] =	stream.linear.gather [hbm4b:s25+s3], $0x800, $0x38;
	[tilespmem:$0x1F000] =	vst v63  }
0x3c: {  	_ =	swait.ge [sflag:s9], $0x800  }
0x3d: {  	p0 =	por $0x0, $0x0;
	[sflag:s9] =	ssyncset.done $0x0  }
0x3e: {  	s25 =	simm.s32 @p0 $0x3;
	[sflag:s9] =	ssyncadd.s32 $0xFFFFF800  }
0x3f: {  	_ =	swait.ge @p0 [sflag:s25], $0x4000  }
0x40: {  	s26 =	simm.s32 @p0 $0x3000;
	s28 =	simm.s32 @p0 $0x4;
	[sflag:s25] =	ssyncset.done @p0 $0x0  }
0x41: {  	s29 =	simm.s32 @p0 $0x0;
	[sflag:s25] =	ssyncadd.s32 @p0 $0xFFFFC000;
	s25 =	simm.s32 @p0 $0x80  }
0x42: {  	[tilespmem:s26], [sflag:$0x1] =	stream.indirect.gather @p0 [hbm4b:s4+s25], $0x80, s29, s25, $0xb8;
	[tilespmem:$0x1F000] =	vst v63  }
0x43: {  	_ =	swait.ge @p0 [sflag:s28], $0x4000  }
0x44: {  	s25 =	simm.s32 @!p0 $0x3000;
	[sflag:s28] =	ssyncset.done @p0 $0x0  }
0x45: {  	s26 =	simm.s32 @!p0 $0x80;
	[sflag:s28] =	ssyncadd.s32 @p0 $0xFFFFC000;
	s28 =	simm.s32 @!p0 $0x0  }
0x46: {  	[tilespmem:s25], [sflag:$0x1] =	stream.indirect.gather @!p0 [hbm4b:s4+s26], $0x80, s28, s26, $0xb8;
	[tilespmem:$0x1F000] =	vst v63  }
0x47: {  	_ = 	snop  }
0x48: {  	[tilespmem:s17], [sflag:$0x2] =	stream.indirect.gather [hbm4b:s4+s16], $0x80, s16, s16, $0xb8;
	[tilespmem:$0x1F000] =	vst v63  }
0x49: {  	_ =	swait.ge [sflag:s18], $0x4000  }
0x4a: {  	[sflag:s18] =	ssyncset.done $0x0  }
0x4b: {  	s24 =	simm.s32 @!p0 $0x800;
	[sflag:s18] =	ssyncadd.s32 $0xFFFFC000  }
0x4c: {  	[spmem:s1] =	stream.indirect.scatter.add.f32 [tilespmem:s19], [sflag:$0x3], $0x80, s24, s16, $0xb8;
	[tilespmem:$0x1F000] =	vst v63  }
0x4d: {  	_ =	swait.ge [sflag:s20], $0x4000  }
0x4e: {  	[sflag:s20] =	ssyncset.done $0x0  }
0x4f: {  	s31 =	rddreg [dreg:$0x5];
	[sflag:s20] =	ssyncadd.s32 $0xFFFFC000  }
0x50: {  	[tilespmem:s19], [sflag:$0x1] =	stream.indirect.gather [hbm4b:s4+s16], $0x80, s31, s16, $0xb8;
	[tilespmem:$0x1F000] =	vst v63  }
0x51: {  	_ =	swait.ge [sflag:s21], $0x4000  }
0x52: {  	[sflag:s21] =	ssyncset.done $0x0  }
0x53: {  	s26 =	sadd.s32 $0x80, s24;
	[sflag:s21] =	ssyncadd.s32 $0xFFFFC000  }
0x54: {  	[spmem:s1] =	stream.indirect.scatter.add.f32 [tilespmem:s17], [sflag:$0x4], $0x80, s26, s16, $0xb8;
	[tilespmem:$0x1F000] =	vst v63  }
0x55: {  	_ =	swait.ge [sflag:s22], $0x4000  }
0x56: {  	[sflag:s22] =	ssyncset.done $0x0  }
0x57: {  	s30 =	rddreg [dreg:$0x6];
	[sflag:s22] =	ssyncadd.s32 $0xFFFFC000  }
0x58: {  	[tilespmem:s17], [sflag:$0x2] =	stream.indirect.gather [hbm4b:s4+s16], $0x80, s30, s16, $0xb8;
	[tilespmem:$0x1F000] =	vst v63  }
0x59: {  	_ =	swait.ge [sflag:s18], $0x4000  }
0x5a: {  	[sflag:s18] =	ssyncset.done $0x0  }
0x5b: {  	s31 =	sadd.s32 $0x100, s24;
	[sflag:s18] =	ssyncadd.s32 $0xFFFFC000  }
0x5c: {  	[spmem:s1] =	stream.indirect.scatter.add.f32 [tilespmem:s19], [sflag:$0x3], $0x80, s31, s16, $0xb8;
	[tilespmem:$0x1F000] =	vst v63  }
0x5d: {  	_ =	swait.ge [sflag:s20], $0x4000  }
0x5e: {  	[sflag:s20] =	ssyncset.done $0x0  }
0x5f: {  	s26 =	rddreg [dreg:$0x7];
	[sflag:s20] =	ssyncadd.s32 $0xFFFFC000  }
0x60: {  	[tilespmem:s19], [sflag:$0x1] =	stream.indirect.gather [hbm4b:s4+s16], $0x80, s26, s16, $0xb8;
	[tilespmem:$0x1F000] =	vst v63  }
0x61: {  	_ =	swait.ge [sflag:s21], $0x4000  }
0x62: {  	[sflag:s21] =	ssyncset.done $0x0  }
0x63: {  	s30 =	sadd.s32 $0x180, s24;
	[sflag:s21] =	ssyncadd.s32 $0xFFFFC000  }
0x64: {  	[spmem:s1] =	stream.indirect.scatter.add.f32 [tilespmem:s17], [sflag:$0x4], $0x80, s30, s16, $0xb8;
	[tilespmem:$0x1F000] =	vst v63  }
0x65: {  	_ =	swait.ge [sflag:s22], $0x4000  }
0x66: {  	[sflag:s22] =	ssyncset.done $0x0  }
0x67: {  	s31 =	rddreg [dreg:$0x8];
	[sflag:s22] =	ssyncadd.s32 $0xFFFFC000  }
0x68: {  	[tilespmem:s17], [sflag:$0x2] =	stream.indirect.gather [hbm4b:s4+s16], $0x80, s31, s16, $0xb8;
	[tilespmem:$0x1F000] =	vst v63  }
0x69: {  	_ =	swait.ge [sflag:s18], $0x4000  }
0x6a: {  	[sflag:s18] =	ssyncset.done $0x0  }
0x6b: {  	s26 =	sadd.s32 $0x200, s24;
	[sflag:s18] =	ssyncadd.s32 $0xFFFFC000  }
0x6c: {  	[spmem:s1] =	stream.indirect.scatter.add.f32 [tilespmem:s19], [sflag:$0x3], $0x80, s26, s16, $0xb8;
	[tilespmem:$0x1F000] =	vst v63  }
0x6d: {  	_ =	swait.ge [sflag:s20], $0x4000  }
0x6e: {  	[sflag:s20] =	ssyncset.done $0x0  }
0x6f: {  	s30 =	rddreg [dreg:$0x9];
	[sflag:s20] =	ssyncadd.s32 $0xFFFFC000  }
0x70: {  	[tilespmem:s19], [sflag:$0x1] =	stream.indirect.gather [hbm4b:s4+s16], $0x80, s30, s16, $0xb8;
	[tilespmem:$0x1F000] =	vst v63  }
0x71: {  	_ =	swait.ge [sflag:s21], $0x4000  }
0x72: {  	[sflag:s21] =	ssyncset.done $0x0  }
0x73: {  	s31 =	sadd.s32 $0x280, s24;
	[sflag:s21] =	ssyncadd.s32 $0xFFFFC000  }
0x74: {  	[spmem:s1] =	stream.indirect.scatter.add.f32 [tilespmem:s17], [sflag:$0x4], $0x80, s31, s16, $0xb8;
	[tilespmem:$0x1F000] =	vst v63  }
0x75: {  	_ =	swait.ge [sflag:s22], $0x4000  }
0x76: {  	[sflag:s22] =	ssyncset.done $0x0  }
0x77: {  	s26 =	rddreg [dreg:$0xa];
	[sflag:s22] =	ssyncadd.s32 $0xFFFFC000  }
0x78: {  	[tilespmem:s17], [sflag:$0x2] =	stream.indirect.gather [hbm4b:s4+s16], $0x80, s26, s16, $0xb8;
	[tilespmem:$0x1F000] =	vst v63  }
0x79: {  	_ =	swait.ge [sflag:s18], $0x4000  }
0x7a: {  	[sflag:s18] =	ssyncset.done $0x0  }
0x7b: {  	s30 =	sadd.s32 $0x300, s24;
	[sflag:s18] =	ssyncadd.s32 $0xFFFFC000  }
0x7c: {  	[spmem:s1] =	stream.indirect.scatter.add.f32 [tilespmem:s19], [sflag:$0x3], $0x80, s30, s16, $0xb8;
	[tilespmem:$0x1F000] =	vst v63  }
0x7d: {  	_ =	swait.ge [sflag:s20], $0x4000  }
0x7e: {  	[sflag:s20] =	ssyncset.done $0x0  }
0x7f: {  	s31 =	rddreg [dreg:$0xb];
	[sflag:s20] =	ssyncadd.s32 $0xFFFFC000  }
0x80: {  	[tilespmem:s19], [sflag:$0x1] =	stream.indirect.gather [hbm4b:s4+s16], $0x80, s31, s16, $0xb8;
	[tilespmem:$0x1F000] =	vst v63  }
0x81: {  	_ =	swait.ge [sflag:s21], $0x4000  }
0x82: {  	[sflag:s21] =	ssyncset.done $0x0  }
0x83: {  	s26 =	sadd.s32 $0x380, s24;
	[sflag:s21] =	ssyncadd.s32 $0xFFFFC000  }
0x84: {  	[spmem:s1] =	stream.indirect.scatter.add.f32 [tilespmem:s17], [sflag:$0x4], $0x80, s26, s16, $0xb8;
	[tilespmem:$0x1F000] =	vst v63  }
0x85: {  	_ =	swait.ge [sflag:s22], $0x4000  }
0x86: {  	[sflag:s22] =	ssyncset.done $0x0  }
0x87: {  	s30 =	rddreg [dreg:$0xc];
	[sflag:s22] =	ssyncadd.s32 $0xFFFFC000  }
0x88: {  	[tilespmem:s17], [sflag:$0x2] =	stream.indirect.gather [hbm4b:s4+s16], $0x80, s30, s16, $0xb8;
	[tilespmem:$0x1F000] =	vst v63  }
0x89: {  	_ =	swait.ge [sflag:s18], $0x4000  }
0x8a: {  	[sflag:s18] =	ssyncset.done $0x0  }
0x8b: {  	s31 =	sadd.s32 $0x400, s24;
	[sflag:s18] =	ssyncadd.s32 $0xFFFFC000  }
0x8c: {  	[spmem:s1] =	stream.indirect.scatter.add.f32 [tilespmem:s19], [sflag:$0x3], $0x80, s31, s16, $0xb8;
	[tilespmem:$0x1F000] =	vst v63  }
0x8d: {  	_ =	swait.ge [sflag:s20], $0x4000  }
0x8e: {  	[sflag:s20] =	ssyncset.done $0x0  }
0x8f: {  	s26 =	rddreg [dreg:$0xd];
	[sflag:s20] =	ssyncadd.s32 $0xFFFFC000  }
0x90: {  	[tilespmem:s19], [sflag:$0x1] =	stream.indirect.gather [hbm4b:s4+s16], $0x80, s26, s16, $0xb8;
	[tilespmem:$0x1F000] =	vst v63  }
0x91: {  	_ =	swait.ge [sflag:s21], $0x4000  }
0x92: {  	[sflag:s21] =	ssyncset.done $0x0  }
0x93: {  	s30 =	sadd.s32 $0x480, s24;
	[sflag:s21] =	ssyncadd.s32 $0xFFFFC000  }
0x94: {  	[spmem:s1] =	stream.indirect.scatter.add.f32 [tilespmem:s17], [sflag:$0x4], $0x80, s30, s16, $0xb8;
	[tilespmem:$0x1F000] =	vst v63  }
0x95: {  	_ =	swait.ge [sflag:s22], $0x4000  }
0x96: {  	[sflag:s22] =	ssyncset.done $0x0  }
0x97: {  	s31 =	rddreg [dreg:$0xe];
	[sflag:s22] =	ssyncadd.s32 $0xFFFFC000  }
0x98: {  	[tilespmem:s17], [sflag:$0x2] =	stream.indirect.gather [hbm4b:s4+s16], $0x80, s31, s16, $0xb8;
	[tilespmem:$0x1F000] =	vst v63  }
0x99: {  	_ =	swait.ge [sflag:s18], $0x4000  }
0x9a: {  	[sflag:s18] =	ssyncset.done $0x0  }
0x9b: {  	s26 =	sadd.s32 $0x500, s24;
	[sflag:s18] =	ssyncadd.s32 $0xFFFFC000  }
0x9c: {  	[spmem:s1] =	stream.indirect.scatter.add.f32 [tilespmem:s19], [sflag:$0x3], $0x80, s26, s16, $0xb8;
	[tilespmem:$0x1F000] =	vst v63  }
0x9d: {  	_ =	swait.ge [sflag:s20], $0x4000  }
0x9e: {  	[sflag:s20] =	ssyncset.done $0x0  }
0x9f: {  	s30 =	rddreg [dreg:$0xf];
	[sflag:s20] =	ssyncadd.s32 $0xFFFFC000  }
0xa0: {  	[tilespmem:s19], [sflag:$0x1] =	stream.indirect.gather [hbm4b:s4+s16], $0x80, s30, s16, $0xb8;
	[tilespmem:$0x1F000] =	vst v63  }
0xa1: {  	_ =	swait.ge [sflag:s21], $0x4000  }
0xa2: {  	[sflag:s21] =	ssyncset.done $0x0  }
0xa3: {  	s31 =	sadd.s32 $0x580, s24;
	[sflag:s21] =	ssyncadd.s32 $0xFFFFC000  }
0xa4: {  	[spmem:s1] =	stream.indirect.scatter.add.f32 [tilespmem:s17], [sflag:$0x4], $0x80, s31, s16, $0xb8;
	[tilespmem:$0x1F000] =	vst v63  }
0xa5: {  	_ =	swait.ge [sflag:s22], $0x4000  }
0xa6: {  	[sflag:s22] =	ssyncset.done $0x0  }
0xa7: {  	s26 =	rddreg [dreg:$0x10];
	[sflag:s22] =	ssyncadd.s32 $0xFFFFC000  }
0xa8: {  	[tilespmem:s17], [sflag:$0x2] =	stream.indirect.gather [hbm4b:s4+s16], $0x80, s26, s16, $0xb8;
	[tilespmem:$0x1F000] =	vst v63  }
0xa9: {  	_ =	swait.ge [sflag:s18], $0x4000  }
0xaa: {  	[sflag:s18] =	ssyncset.done $0x0  }
0xab: {  	s30 =	sadd.s32 $0x600, s24;
	[sflag:s18] =	ssyncadd.s32 $0xFFFFC000  }
0xac: {  	[spmem:s1] =	stream.indirect.scatter.add.f32 [tilespmem:s19], [sflag:$0x3], $0x80, s30, s16, $0xb8;
	[tilespmem:$0x1F000] =	vst v63  }
0xad: {  	_ =	swait.ge [sflag:s20], $0x4000  }
0xae: {  	[sflag:s20] =	ssyncset.done $0x0  }
0xaf: {  	s31 =	rddreg [dreg:$0x11];
	[sflag:s20] =	ssyncadd.s32 $0xFFFFC000  }
0xb0: {  	[tilespmem:s19], [sflag:$0x1] =	stream.indirect.gather [hbm4b:s4+s16], $0x80, s31, s16, $0xb8;
	[tilespmem:$0x1F000] =	vst v63  }
0xb1: {  	_ =	swait.ge [sflag:s21], $0x4000  }
0xb2: {  	[sflag:s21] =	ssyncset.done $0x0  }
0xb3: {  	s26 =	sadd.s32 $0x680, s24;
	[sflag:s21] =	ssyncadd.s32 $0xFFFFC000  }
0xb4: {  	[spmem:s1] =	stream.indirect.scatter.add.f32 [tilespmem:s17], [sflag:$0x4], $0x80, s26, s16, $0xb8;
	[tilespmem:$0x1F000] =	vst v63  }
0xb5: {  	_ =	swait.ge [sflag:s22], $0x4000  }
0xb6: {  	[sflag:s22] =	ssyncset.done $0x0  }
0xb7: {  	s30 =	rddreg [dreg:$0x12];
	[sflag:s22] =	ssyncadd.s32 $0xFFFFC000  }
0xb8: {  	[tilespmem:s17], [sflag:$0x2] =	stream.indirect.gather [hbm4b:s4+s16], $0x80, s30, s16, $0xb8;
	[tilespmem:$0x1F000] =	vst v63  }
0xb9: {  	_ =	swait.ge [sflag:s18], $0x4000  }
0xba: {  	[sflag:s18] =	ssyncset.done $0x0  }
0xbb: {  	s31 =	sadd.s32 $0x700, s24;
	[sflag:s18] =	ssyncadd.s32 $0xFFFFC000  }
0xbc: {  	[spmem:s1] =	stream.indirect.scatter.add.f32 [tilespmem:s19], [sflag:$0x3], $0x80, s31, s16, $0xb8;
	[tilespmem:$0x1F000] =	vst v63  }
0xbd: {  	s25 =	simm.s32 $0x100;
	_ =	swait.ge [sflag:s21], $0x4000  }
0xbe: {  	s28 =	sadd.s32 $0x780, s24;
	s24 =	simm.s32 $0x1000;
	[sflag:s21] =	ssyncset.done $0x0  }
0xbf: {  	s26 =	simm.s32 $0x200;
	s29 =	rddreg [dreg:$0x4];
	[sflag:s21] =	ssyncadd.s32 $0xFFFFC000  }
.LBB2_2:
0xc0: {  	[spmem:s1] =	stream.indirect.scatter.add.f32 [tilespmem:s17], [sflag:$0x4], $0x80, s28, s16, $0xb8;
	[tilespmem:$0x1F000] =	vst v63  }
0xc1: {  	s28 =	sadd.s32 s25, s29  }
0xc2: {  	[tilespmem:s3], [sflag:$0x5] =	stream.linear.gather [hbm4b:s28+s3], $0x800, $0x38;
	[tilespmem:$0x1F000] =	vst v63  }
0xc3: {  	_ =	swait.ge [sflag:s9], $0x800  }
0xc4: {  	p1 =	sne.s32 s25, $0x0;
	[sflag:s9] =	ssyncset.done $0x0  }
0xc5: {  	s29 =	smov.u32 s26;
	s28 =	simm.s32 @p1 $0x3;
	[sflag:s9] =	ssyncadd.s32 $0xFFFFF800  }
0xc6: {  	s25 =	smov.u32 s29;
	_ =	swait.ge @p1 [sflag:s28], $0x4000  }
0xc7: {  	s29 =	simm.s32 @p1 $0x3000;
	s30 =	simm.s32 @p1 $0x4;
	[sflag:s28] =	ssyncset.done @p1 $0x0  }
0xc8: {  	s31 =	simm.s32 @p1 $0x0;
	[sflag:s28] =	ssyncadd.s32 @p1 $0xFFFFC000;
	s28 =	simm.s32 @p1 $0x80  }
0xc9: {  	[tilespmem:s29], [sflag:$0x1] =	stream.indirect.gather @p1 [hbm4b:s4+s28], $0x80, s31, s28, $0xb8;
	[tilespmem:$0x1F000] =	vst v63  }
0xca: {  	_ =	swait.ge @p1 [sflag:s30], $0x4000  }
0xcb: {  	s28 =	simm.s32 @!p1 $0x3000;
	[sflag:s30] =	ssyncset.done @p1 $0x0  }
0xcc: {  	s29 =	simm.s32 @!p1 $0x80;
	[sflag:s30] =	ssyncadd.s32 @p1 $0xFFFFC000;
	s30 =	simm.s32 @!p1 $0x0  }
0xcd: {  	[tilespmem:s28], [sflag:$0x1] =	stream.indirect.gather @!p1 [hbm4b:s4+s29], $0x80, s30, s29, $0xb8;
	[tilespmem:$0x1F000] =	vst v63  }
0xce: {  	_ = 	snop  }
0xcf: {  	[tilespmem:s17], [sflag:$0x2] =	stream.indirect.gather [hbm4b:s4+s16], $0x80, s16, s16, $0xb8;
	[tilespmem:$0x1F000] =	vst v63  }
0xd0: {  	_ =	swait.ge [sflag:s18], $0x4000  }
0xd1: {  	s28 =	smov.u32 s24;
	[sflag:s18] =	ssyncset.done $0x0  }
0xd2: {  	s28 =	simm.s32 @!p1 $0x800;
	[sflag:s18] =	ssyncadd.s32 $0xFFFFC000  }
0xd3: {  	[spmem:s1] =	stream.indirect.scatter.add.f32 [tilespmem:s19], [sflag:$0x3], $0x80, s28, s16, $0xb8;
	[tilespmem:$0x1F000] =	vst v63  }
0xd4: {  	_ =	swait.ge [sflag:s20], $0x4000  }
0xd5: {  	[sflag:s20] =	ssyncset.done $0x0  }
0xd6: {  	s29 =	rddreg [dreg:$0x5];
	[sflag:s20] =	ssyncadd.s32 $0xFFFFC000  }
0xd7: {  	[tilespmem:s19], [sflag:$0x1] =	stream.indirect.gather [hbm4b:s4+s16], $0x80, s29, s16, $0xb8;
	[tilespmem:$0x1F000] =	vst v63  }
0xd8: {  	_ =	swait.ge [sflag:s21], $0x4000  }
0xd9: {  	[sflag:s21] =	ssyncset.done $0x0  }
0xda: {  	s29 =	sadd.s32 $0x80, s28;
	[sflag:s21] =	ssyncadd.s32 $0xFFFFC000  }
0xdb: {  	[spmem:s1] =	stream.indirect.scatter.add.f32 [tilespmem:s17], [sflag:$0x4], $0x80, s29, s16, $0xb8;
	[tilespmem:$0x1F000] =	vst v63  }
0xdc: {  	_ =	swait.ge [sflag:s22], $0x4000  }
0xdd: {  	[sflag:s22] =	ssyncset.done $0x0  }
0xde: {  	s29 =	rddreg [dreg:$0x6];
	[sflag:s22] =	ssyncadd.s32 $0xFFFFC000  }
0xdf: {  	[tilespmem:s17], [sflag:$0x2] =	stream.indirect.gather [hbm4b:s4+s16], $0x80, s29, s16, $0xb8;
	[tilespmem:$0x1F000] =	vst v63  }
0xe0: {  	_ =	swait.ge [sflag:s18], $0x4000  }
0xe1: {  	[sflag:s18] =	ssyncset.done $0x0  }
0xe2: {  	s29 =	sadd.s32 $0x100, s28;
	[sflag:s18] =	ssyncadd.s32 $0xFFFFC000  }
0xe3: {  	[spmem:s1] =	stream.indirect.scatter.add.f32 [tilespmem:s19], [sflag:$0x3], $0x80, s29, s16, $0xb8;
	[tilespmem:$0x1F000] =	vst v63  }
0xe4: {  	_ =	swait.ge [sflag:s20], $0x4000  }
0xe5: {  	[sflag:s20] =	ssyncset.done $0x0  }
0xe6: {  	s29 =	rddreg [dreg:$0x7];
	[sflag:s20] =	ssyncadd.s32 $0xFFFFC000  }
0xe7: {  	[tilespmem:s19], [sflag:$0x1] =	stream.indirect.gather [hbm4b:s4+s16], $0x80, s29, s16, $0xb8;
	[tilespmem:$0x1F000] =	vst v63  }
0xe8: {  	_ =	swait.ge [sflag:s21], $0x4000  }
0xe9: {  	[sflag:s21] =	ssyncset.done $0x0  }
0xea: {  	s29 =	sadd.s32 $0x180, s28;
	[sflag:s21] =	ssyncadd.s32 $0xFFFFC000  }
0xeb: {  	[spmem:s1] =	stream.indirect.scatter.add.f32 [tilespmem:s17], [sflag:$0x4], $0x80, s29, s16, $0xb8;
	[tilespmem:$0x1F000] =	vst v63  }
0xec: {  	_ =	swait.ge [sflag:s22], $0x4000  }
0xed: {  	[sflag:s22] =	ssyncset.done $0x0  }
0xee: {  	s29 =	rddreg [dreg:$0x8];
	[sflag:s22] =	ssyncadd.s32 $0xFFFFC000  }
0xef: {  	[tilespmem:s17], [sflag:$0x2] =	stream.indirect.gather [hbm4b:s4+s16], $0x80, s29, s16, $0xb8;
	[tilespmem:$0x1F000] =	vst v63  }
0xf0: {  	_ =	swait.ge [sflag:s18], $0x4000  }
0xf1: {  	[sflag:s18] =	ssyncset.done $0x0  }
0xf2: {  	s29 =	sadd.s32 $0x200, s28;
	[sflag:s18] =	ssyncadd.s32 $0xFFFFC000  }
0xf3: {  	[spmem:s1] =	stream.indirect.scatter.add.f32 [tilespmem:s19], [sflag:$0x3], $0x80, s29, s16, $0xb8;
	[tilespmem:$0x1F000] =	vst v63  }
0xf4: {  	_ =	swait.ge [sflag:s20], $0x4000  }
0xf5: {  	[sflag:s20] =	ssyncset.done $0x0  }
0xf6: {  	s29 =	rddreg [dreg:$0x9];
	[sflag:s20] =	ssyncadd.s32 $0xFFFFC000  }
0xf7: {  	[tilespmem:s19], [sflag:$0x1] =	stream.indirect.gather [hbm4b:s4+s16], $0x80, s29, s16, $0xb8;
	[tilespmem:$0x1F000] =	vst v63  }
0xf8: {  	_ =	swait.ge [sflag:s21], $0x4000  }
0xf9: {  	[sflag:s21] =	ssyncset.done $0x0  }
0xfa: {  	s29 =	sadd.s32 $0x280, s28;
	[sflag:s21] =	ssyncadd.s32 $0xFFFFC000  }
0xfb: {  	[spmem:s1] =	stream.indirect.scatter.add.f32 [tilespmem:s17], [sflag:$0x4], $0x80, s29, s16, $0xb8;
	[tilespmem:$0x1F000] =	vst v63  }
0xfc: {  	_ =	swait.ge [sflag:s22], $0x4000  }
0xfd: {  	[sflag:s22] =	ssyncset.done $0x0  }
0xfe: {  	s29 =	rddreg [dreg:$0xa];
	[sflag:s22] =	ssyncadd.s32 $0xFFFFC000  }
0xff: {  	[tilespmem:s17], [sflag:$0x2] =	stream.indirect.gather [hbm4b:s4+s16], $0x80, s29, s16, $0xb8;
	[tilespmem:$0x1F000] =	vst v63  }
0x100: {  	_ =	swait.ge [sflag:s18], $0x4000  }
0x101: {  	[sflag:s18] =	ssyncset.done $0x0  }
0x102: {  	s29 =	sadd.s32 $0x300, s28;
	[sflag:s18] =	ssyncadd.s32 $0xFFFFC000  }
0x103: {  	[spmem:s1] =	stream.indirect.scatter.add.f32 [tilespmem:s19], [sflag:$0x3], $0x80, s29, s16, $0xb8;
	[tilespmem:$0x1F000] =	vst v63  }
0x104: {  	_ =	swait.ge [sflag:s20], $0x4000  }
0x105: {  	[sflag:s20] =	ssyncset.done $0x0  }
0x106: {  	s29 =	rddreg [dreg:$0xb];
	[sflag:s20] =	ssyncadd.s32 $0xFFFFC000  }
0x107: {  	[tilespmem:s19], [sflag:$0x1] =	stream.indirect.gather [hbm4b:s4+s16], $0x80, s29, s16, $0xb8;
	[tilespmem:$0x1F000] =	vst v63  }
0x108: {  	_ =	swait.ge [sflag:s21], $0x4000  }
0x109: {  	[sflag:s21] =	ssyncset.done $0x0  }
0x10a: {  	s29 =	sadd.s32 $0x380, s28;
	[sflag:s21] =	ssyncadd.s32 $0xFFFFC000  }
0x10b: {  	[spmem:s1] =	stream.indirect.scatter.add.f32 [tilespmem:s17], [sflag:$0x4], $0x80, s29, s16, $0xb8;
	[tilespmem:$0x1F000] =	vst v63  }
0x10c: {  	_ =	swait.ge [sflag:s22], $0x4000  }
0x10d: {  	[sflag:s22] =	ssyncset.done $0x0  }
0x10e: {  	s29 =	rddreg [dreg:$0xc];
	[sflag:s22] =	ssyncadd.s32 $0xFFFFC000  }
0x10f: {  	[tilespmem:s17], [sflag:$0x2] =	stream.indirect.gather [hbm4b:s4+s16], $0x80, s29, s16, $0xb8;
	[tilespmem:$0x1F000] =	vst v63  }
0x110: {  	_ =	swait.ge [sflag:s18], $0x4000  }
0x111: {  	[sflag:s18] =	ssyncset.done $0x0  }
0x112: {  	s29 =	sadd.s32 $0x400, s28;
	[sflag:s18] =	ssyncadd.s32 $0xFFFFC000  }
0x113: {  	[spmem:s1] =	stream.indirect.scatter.add.f32 [tilespmem:s19], [sflag:$0x3], $0x80, s29, s16, $0xb8;
	[tilespmem:$0x1F000] =	vst v63  }
0x114: {  	_ =	swait.ge [sflag:s20], $0x4000  }
0x115: {  	[sflag:s20] =	ssyncset.done $0x0  }
0x116: {  	s29 =	rddreg [dreg:$0xd];
	[sflag:s20] =	ssyncadd.s32 $0xFFFFC000  }
0x117: {  	[tilespmem:s19], [sflag:$0x1] =	stream.indirect.gather [hbm4b:s4+s16], $0x80, s29, s16, $0xb8;
	[tilespmem:$0x1F000] =	vst v63  }
0x118: {  	_ =	swait.ge [sflag:s21], $0x4000  }
0x119: {  	[sflag:s21] =	ssyncset.done $0x0  }
0x11a: {  	s29 =	sadd.s32 $0x480, s28;
	[sflag:s21] =	ssyncadd.s32 $0xFFFFC000  }
0x11b: {  	[spmem:s1] =	stream.indirect.scatter.add.f32 [tilespmem:s17], [sflag:$0x4], $0x80, s29, s16, $0xb8;
	[tilespmem:$0x1F000] =	vst v63  }
0x11c: {  	_ =	swait.ge [sflag:s22], $0x4000  }
0x11d: {  	[sflag:s22] =	ssyncset.done $0x0  }
0x11e: {  	s29 =	rddreg [dreg:$0xe];
	[sflag:s22] =	ssyncadd.s32 $0xFFFFC000  }
0x11f: {  	[tilespmem:s17], [sflag:$0x2] =	stream.indirect.gather [hbm4b:s4+s16], $0x80, s29, s16, $0xb8;
	[tilespmem:$0x1F000] =	vst v63  }
0x120: {  	_ =	swait.ge [sflag:s18], $0x4000  }
0x121: {  	[sflag:s18] =	ssyncset.done $0x0  }
0x122: {  	s29 =	sadd.s32 $0x500, s28;
	[sflag:s18] =	ssyncadd.s32 $0xFFFFC000  }
0x123: {  	[spmem:s1] =	stream.indirect.scatter.add.f32 [tilespmem:s19], [sflag:$0x3], $0x80, s29, s16, $0xb8;
	[tilespmem:$0x1F000] =	vst v63  }
0x124: {  	_ =	swait.ge [sflag:s20], $0x4000  }
0x125: {  	[sflag:s20] =	ssyncset.done $0x0  }
0x126: {  	s29 =	rddreg [dreg:$0xf];
	[sflag:s20] =	ssyncadd.s32 $0xFFFFC000  }
0x127: {  	[tilespmem:s19], [sflag:$0x1] =	stream.indirect.gather [hbm4b:s4+s16], $0x80, s29, s16, $0xb8;
	[tilespmem:$0x1F000] =	vst v63  }
0x128: {  	_ =	swait.ge [sflag:s21], $0x4000  }
0x129: {  	[sflag:s21] =	ssyncset.done $0x0  }
0x12a: {  	s29 =	sadd.s32 $0x580, s28;
	[sflag:s21] =	ssyncadd.s32 $0xFFFFC000  }
0x12b: {  	[spmem:s1] =	stream.indirect.scatter.add.f32 [tilespmem:s17], [sflag:$0x4], $0x80, s29, s16, $0xb8;
	[tilespmem:$0x1F000] =	vst v63  }
0x12c: {  	_ =	swait.ge [sflag:s22], $0x4000  }
0x12d: {  	[sflag:s22] =	ssyncset.done $0x0  }
0x12e: {  	s29 =	rddreg [dreg:$0x10];
	[sflag:s22] =	ssyncadd.s32 $0xFFFFC000  }
0x12f: {  	[tilespmem:s17], [sflag:$0x2] =	stream.indirect.gather [hbm4b:s4+s16], $0x80, s29, s16, $0xb8;
	[tilespmem:$0x1F000] =	vst v63  }
0x130: {  	_ =	swait.ge [sflag:s18], $0x4000  }
0x131: {  	[sflag:s18] =	ssyncset.done $0x0  }
0x132: {  	s29 =	sadd.s32 $0x600, s28;
	[sflag:s18] =	ssyncadd.s32 $0xFFFFC000  }
0x133: {  	[spmem:s1] =	stream.indirect.scatter.add.f32 [tilespmem:s19], [sflag:$0x3], $0x80, s29, s16, $0xb8;
	[tilespmem:$0x1F000] =	vst v63  }
0x134: {  	_ =	swait.ge [sflag:s20], $0x4000  }
0x135: {  	[sflag:s20] =	ssyncset.done $0x0  }
0x136: {  	s29 =	rddreg [dreg:$0x11];
	[sflag:s20] =	ssyncadd.s32 $0xFFFFC000  }
0x137: {  	[tilespmem:s19], [sflag:$0x1] =	stream.indirect.gather [hbm4b:s4+s16], $0x80, s29, s16, $0xb8;
	[tilespmem:$0x1F000] =	vst v63  }
0x138: {  	_ =	swait.ge [sflag:s21], $0x4000  }
0x139: {  	[sflag:s21] =	ssyncset.done $0x0  }
0x13a: {  	s29 =	sadd.s32 $0x680, s28;
	[sflag:s21] =	ssyncadd.s32 $0xFFFFC000  }
0x13b: {  	[spmem:s1] =	stream.indirect.scatter.add.f32 [tilespmem:s17], [sflag:$0x4], $0x80, s29, s16, $0xb8;
	[tilespmem:$0x1F000] =	vst v63  }
0x13c: {  	_ =	swait.ge [sflag:s22], $0x4000  }
0x13d: {  	[sflag:s22] =	ssyncset.done $0x0  }
0x13e: {  	s29 =	rddreg [dreg:$0x12];
	[sflag:s22] =	ssyncadd.s32 $0xFFFFC000  }
0x13f: {  	[tilespmem:s17], [sflag:$0x2] =	stream.indirect.gather [hbm4b:s4+s16], $0x80, s29, s16, $0xb8;
	[tilespmem:$0x1F000] =	vst v63  }
0x140: {  	s26 =	sadd.s32 $0x100, s26;
	_ =	swait.ge [sflag:s18], $0x4000  }
0x141: {  	p0 =	sne.s32 s26, $0x500;
	[sflag:s18] =	ssyncset.done $0x0  }
.Ltmp0:
0x142: {  	s29 =	sadd.s32 $0x700, s28;
	[sflag:s18] =	ssyncadd.s32 $0xFFFFC000;
	(pc) =	sbr.rel @p0 .LBB2_2-.Ltmp0, $4  }
0x143: {  	[spmem:s1] =	stream.indirect.scatter.add.f32 [tilespmem:s19], [sflag:$0x3], $0x80, s29, s16, $0xb8;
	[tilespmem:$0x1F000] =	vst v63  }
0x144: {  	_ =	swait.ge [sflag:s21], $0x4000  }
0x145: {  	s24 =	sadd.s32 $0x800, s24;
	[sflag:s21] =	ssyncset.done $0x0  }
0x146: {  	s28 =	sadd.s32 $0x780, s28;
	s29 =	rddreg [dreg:$0x4];
	[sflag:s21] =	ssyncadd.s32 $0xFFFFC000  }
0x147: {  	[spmem:s1] =	stream.indirect.scatter.add.f32 [tilespmem:s17], [sflag:$0x4], $0x80, s28, s16, $0xb8;
	[tilespmem:$0x1F000] =	vst v63  }
0x148: {  	s26 =	sadd.s32 s25, s29  }
0x149: {  	[tilespmem:s3], [sflag:$0x5] =	stream.linear.gather [hbm4b:s26+s3], $0x800, $0x38;
	[tilespmem:$0x1F000] =	vst v63  }
0x14a: {  	_ =	swait.ge [sflag:s9], $0x800  }
0x14b: {  	p0 =	sne.s32 s25, $0x0;
	[sflag:s9] =	ssyncset.done $0x0  }
0x14c: {  	s25 =	simm.s32 @p0 $0x3;
	[sflag:s9] =	ssyncadd.s32 $0xFFFFF800  }
0x14d: {  	_ =	swait.ge @p0 [sflag:s25], $0x4000  }
0x14e: {  	s28 =	simm.s32 @p0 $0x4;
	s29 =	simm.s32 @p0 $0x0;
	[sflag:s25] =	ssyncset.done @p0 $0x0  }
0x14f: {  	s26 =	simm.s32 @p0 $0x3000;
	[sflag:s25] =	ssyncadd.s32 @p0 $0xFFFFC000;
	s25 =	simm.s32 @p0 $0x80  }
0x150: {  	[tilespmem:s26], [sflag:$0x1] =	stream.indirect.gather @p0 [hbm4b:s4+s25], $0x80, s29, s25, $0xb8;
	[tilespmem:$0x1F000] =	vst v63  }
0x151: {  	_ =	swait.ge @p0 [sflag:s28], $0x4000  }
0x152: {  	s25 =	simm.s32 @!p0 $0x3000;
	[sflag:s28] =	ssyncset.done @p0 $0x0  }
0x153: {  	s26 =	simm.s32 @!p0 $0x80;
	[sflag:s28] =	ssyncadd.s32 @p0 $0xFFFFC000;
	s28 =	simm.s32 @!p0 $0x0  }
0x154: {  	[tilespmem:s25], [sflag:$0x1] =	stream.indirect.gather @!p0 [hbm4b:s4+s26], $0x80, s28, s26, $0xb8;
	[tilespmem:$0x1F000] =	vst v63  }
0x155: {  	_ = 	snop  }
0x156: {  	[tilespmem:s17], [sflag:$0x2] =	stream.indirect.gather [hbm4b:s4+s16], $0x80, s16, s16, $0xb8;
	[tilespmem:$0x1F000] =	vst v63  }
0x157: {  	_ =	swait.ge [sflag:s18], $0x4000  }
0x158: {  	[sflag:s18] =	ssyncset.done $0x0  }
0x159: {  	s24 =	simm.s32 @!p0 $0x800;
	[sflag:s18] =	ssyncadd.s32 $0xFFFFC000  }
0x15a: {  	[spmem:s1] =	stream.indirect.scatter.add.f32 [tilespmem:s19], [sflag:$0x3], $0x80, s24, s16, $0xb8;
	[tilespmem:$0x1F000] =	vst v63  }
0x15b: {  	_ =	swait.ge [sflag:s20], $0x4000  }
0x15c: {  	[sflag:s20] =	ssyncset.done $0x0  }
0x15d: {  	s29 =	rddreg [dreg:$0x5];
	[sflag:s20] =	ssyncadd.s32 $0xFFFFC000  }
0x15e: {  	[tilespmem:s19], [sflag:$0x1] =	stream.indirect.gather [hbm4b:s4+s16], $0x80, s29, s16, $0xb8;
	[tilespmem:$0x1F000] =	vst v63  }
0x15f: {  	_ =	swait.ge [sflag:s21], $0x4000  }
0x160: {  	[sflag:s21] =	ssyncset.done $0x0  }
0x161: {  	s30 =	sadd.s32 $0x80, s24;
	[sflag:s21] =	ssyncadd.s32 $0xFFFFC000  }
0x162: {  	[spmem:s1] =	stream.indirect.scatter.add.f32 [tilespmem:s17], [sflag:$0x4], $0x80, s30, s16, $0xb8;
	[tilespmem:$0x1F000] =	vst v63  }
0x163: {  	_ =	swait.ge [sflag:s22], $0x4000  }
0x164: {  	[sflag:s22] =	ssyncset.done $0x0  }
0x165: {  	s31 =	rddreg [dreg:$0x6];
	[sflag:s22] =	ssyncadd.s32 $0xFFFFC000  }
0x166: {  	[tilespmem:s17], [sflag:$0x2] =	stream.indirect.gather [hbm4b:s4+s16], $0x80, s31, s16, $0xb8;
	[tilespmem:$0x1F000] =	vst v63  }
0x167: {  	_ =	swait.ge [sflag:s18], $0x4000  }
0x168: {  	[sflag:s18] =	ssyncset.done $0x0  }
0x169: {  	s26 =	sadd.s32 $0x100, s24;
	[sflag:s18] =	ssyncadd.s32 $0xFFFFC000  }
0x16a: {  	[spmem:s1] =	stream.indirect.scatter.add.f32 [tilespmem:s19], [sflag:$0x3], $0x80, s26, s16, $0xb8;
	[tilespmem:$0x1F000] =	vst v63  }
0x16b: {  	_ =	swait.ge [sflag:s20], $0x4000  }
0x16c: {  	[sflag:s20] =	ssyncset.done $0x0  }
0x16d: {  	s28 =	rddreg [dreg:$0x7];
	[sflag:s20] =	ssyncadd.s32 $0xFFFFC000  }
0x16e: {  	[tilespmem:s19], [sflag:$0x1] =	stream.indirect.gather [hbm4b:s4+s16], $0x80, s28, s16, $0xb8;
	[tilespmem:$0x1F000] =	vst v63  }
0x16f: {  	_ =	swait.ge [sflag:s21], $0x4000  }
0x170: {  	[sflag:s21] =	ssyncset.done $0x0  }
0x171: {  	s29 =	sadd.s32 $0x180, s24;
	[sflag:s21] =	ssyncadd.s32 $0xFFFFC000  }
0x172: {  	[spmem:s1] =	stream.indirect.scatter.add.f32 [tilespmem:s17], [sflag:$0x4], $0x80, s29, s16, $0xb8;
	[tilespmem:$0x1F000] =	vst v63  }
0x173: {  	_ =	swait.ge [sflag:s22], $0x4000  }
0x174: {  	[sflag:s22] =	ssyncset.done $0x0  }
0x175: {  	s30 =	rddreg [dreg:$0x8];
	[sflag:s22] =	ssyncadd.s32 $0xFFFFC000  }
0x176: {  	[tilespmem:s17], [sflag:$0x2] =	stream.indirect.gather [hbm4b:s4+s16], $0x80, s30, s16, $0xb8;
	[tilespmem:$0x1F000] =	vst v63  }
0x177: {  	_ =	swait.ge [sflag:s18], $0x4000  }
0x178: {  	[sflag:s18] =	ssyncset.done $0x0  }
0x179: {  	s31 =	sadd.s32 $0x200, s24;
	[sflag:s18] =	ssyncadd.s32 $0xFFFFC000  }
0x17a: {  	[spmem:s1] =	stream.indirect.scatter.add.f32 [tilespmem:s19], [sflag:$0x3], $0x80, s31, s16, $0xb8;
	[tilespmem:$0x1F000] =	vst v63  }
0x17b: {  	_ =	swait.ge [sflag:s20], $0x4000  }
0x17c: {  	[sflag:s20] =	ssyncset.done $0x0  }
0x17d: {  	s26 =	rddreg [dreg:$0x9];
	[sflag:s20] =	ssyncadd.s32 $0xFFFFC000  }
0x17e: {  	[tilespmem:s19], [sflag:$0x1] =	stream.indirect.gather [hbm4b:s4+s16], $0x80, s26, s16, $0xb8;
	[tilespmem:$0x1F000] =	vst v63  }
0x17f: {  	_ =	swait.ge [sflag:s21], $0x4000  }
0x180: {  	[sflag:s21] =	ssyncset.done $0x0  }
0x181: {  	s28 =	sadd.s32 $0x280, s24;
	[sflag:s21] =	ssyncadd.s32 $0xFFFFC000  }
0x182: {  	[spmem:s1] =	stream.indirect.scatter.add.f32 [tilespmem:s17], [sflag:$0x4], $0x80, s28, s16, $0xb8;
	[tilespmem:$0x1F000] =	vst v63  }
0x183: {  	_ =	swait.ge [sflag:s22], $0x4000  }
0x184: {  	[sflag:s22] =	ssyncset.done $0x0  }
0x185: {  	s29 =	rddreg [dreg:$0xa];
	[sflag:s22] =	ssyncadd.s32 $0xFFFFC000  }
0x186: {  	[tilespmem:s17], [sflag:$0x2] =	stream.indirect.gather [hbm4b:s4+s16], $0x80, s29, s16, $0xb8;
	[tilespmem:$0x1F000] =	vst v63  }
0x187: {  	_ =	swait.ge [sflag:s18], $0x4000  }
0x188: {  	[sflag:s18] =	ssyncset.done $0x0  }
0x189: {  	s30 =	sadd.s32 $0x300, s24;
	[sflag:s18] =	ssyncadd.s32 $0xFFFFC000  }
0x18a: {  	[spmem:s1] =	stream.indirect.scatter.add.f32 [tilespmem:s19], [sflag:$0x3], $0x80, s30, s16, $0xb8;
	[tilespmem:$0x1F000] =	vst v63  }
0x18b: {  	_ =	swait.ge [sflag:s20], $0x4000  }
0x18c: {  	[sflag:s20] =	ssyncset.done $0x0  }
0x18d: {  	s31 =	rddreg [dreg:$0xb];
	[sflag:s20] =	ssyncadd.s32 $0xFFFFC000  }
0x18e: {  	[tilespmem:s19], [sflag:$0x1] =	stream.indirect.gather [hbm4b:s4+s16], $0x80, s31, s16, $0xb8;
	[tilespmem:$0x1F000] =	vst v63  }
0x18f: {  	_ =	swait.ge [sflag:s21], $0x4000  }
0x190: {  	[sflag:s21] =	ssyncset.done $0x0  }
0x191: {  	s26 =	sadd.s32 $0x380, s24;
	[sflag:s21] =	ssyncadd.s32 $0xFFFFC000  }
0x192: {  	[spmem:s1] =	stream.indirect.scatter.add.f32 [tilespmem:s17], [sflag:$0x4], $0x80, s26, s16, $0xb8;
	[tilespmem:$0x1F000] =	vst v63  }
0x193: {  	_ =	swait.ge [sflag:s22], $0x4000  }
0x194: {  	[sflag:s22] =	ssyncset.done $0x0  }
0x195: {  	s28 =	rddreg [dreg:$0xc];
	[sflag:s22] =	ssyncadd.s32 $0xFFFFC000  }
0x196: {  	[tilespmem:s17], [sflag:$0x2] =	stream.indirect.gather [hbm4b:s4+s16], $0x80, s28, s16, $0xb8;
	[tilespmem:$0x1F000] =	vst v63  }
0x197: {  	_ =	swait.ge [sflag:s18], $0x4000  }
0x198: {  	[sflag:s18] =	ssyncset.done $0x0  }
0x199: {  	s29 =	sadd.s32 $0x400, s24;
	[sflag:s18] =	ssyncadd.s32 $0xFFFFC000  }
0x19a: {  	[spmem:s1] =	stream.indirect.scatter.add.f32 [tilespmem:s19], [sflag:$0x3], $0x80, s29, s16, $0xb8;
	[tilespmem:$0x1F000] =	vst v63  }
0x19b: {  	_ =	swait.ge [sflag:s20], $0x4000  }
0x19c: {  	[sflag:s20] =	ssyncset.done $0x0  }
0x19d: {  	s30 =	rddreg [dreg:$0xd];
	[sflag:s20] =	ssyncadd.s32 $0xFFFFC000  }
0x19e: {  	[tilespmem:s19], [sflag:$0x1] =	stream.indirect.gather [hbm4b:s4+s16], $0x80, s30, s16, $0xb8;
	[tilespmem:$0x1F000] =	vst v63  }
0x19f: {  	_ =	swait.ge [sflag:s21], $0x4000  }
0x1a0: {  	[sflag:s21] =	ssyncset.done $0x0  }
0x1a1: {  	s31 =	sadd.s32 $0x480, s24;
	[sflag:s21] =	ssyncadd.s32 $0xFFFFC000  }
0x1a2: {  	[spmem:s1] =	stream.indirect.scatter.add.f32 [tilespmem:s17], [sflag:$0x4], $0x80, s31, s16, $0xb8;
	[tilespmem:$0x1F000] =	vst v63  }
0x1a3: {  	_ =	swait.ge [sflag:s22], $0x4000  }
0x1a4: {  	[sflag:s22] =	ssyncset.done $0x0  }
0x1a5: {  	s26 =	rddreg [dreg:$0xe];
	[sflag:s22] =	ssyncadd.s32 $0xFFFFC000  }
0x1a6: {  	[tilespmem:s17], [sflag:$0x2] =	stream.indirect.gather [hbm4b:s4+s16], $0x80, s26, s16, $0xb8;
	[tilespmem:$0x1F000] =	vst v63  }
0x1a7: {  	_ =	swait.ge [sflag:s18], $0x4000  }
0x1a8: {  	[sflag:s18] =	ssyncset.done $0x0  }
0x1a9: {  	s28 =	sadd.s32 $0x500, s24;
	[sflag:s18] =	ssyncadd.s32 $0xFFFFC000  }
0x1aa: {  	[spmem:s1] =	stream.indirect.scatter.add.f32 [tilespmem:s19], [sflag:$0x3], $0x80, s28, s16, $0xb8;
	[tilespmem:$0x1F000] =	vst v63  }
0x1ab: {  	_ =	swait.ge [sflag:s20], $0x4000  }
0x1ac: {  	[sflag:s20] =	ssyncset.done $0x0  }
0x1ad: {  	s29 =	rddreg [dreg:$0xf];
	[sflag:s20] =	ssyncadd.s32 $0xFFFFC000  }
0x1ae: {  	[tilespmem:s19], [sflag:$0x1] =	stream.indirect.gather [hbm4b:s4+s16], $0x80, s29, s16, $0xb8;
	[tilespmem:$0x1F000] =	vst v63  }
0x1af: {  	_ =	swait.ge [sflag:s21], $0x4000  }
0x1b0: {  	[sflag:s21] =	ssyncset.done $0x0  }
0x1b1: {  	s30 =	sadd.s32 $0x580, s24;
	[sflag:s21] =	ssyncadd.s32 $0xFFFFC000  }
0x1b2: {  	[spmem:s1] =	stream.indirect.scatter.add.f32 [tilespmem:s17], [sflag:$0x4], $0x80, s30, s16, $0xb8;
	[tilespmem:$0x1F000] =	vst v63  }
0x1b3: {  	_ =	swait.ge [sflag:s22], $0x4000  }
0x1b4: {  	[sflag:s22] =	ssyncset.done $0x0  }
0x1b5: {  	s31 =	rddreg [dreg:$0x10];
	[sflag:s22] =	ssyncadd.s32 $0xFFFFC000  }
0x1b6: {  	[tilespmem:s17], [sflag:$0x2] =	stream.indirect.gather [hbm4b:s4+s16], $0x80, s31, s16, $0xb8;
	[tilespmem:$0x1F000] =	vst v63  }
0x1b7: {  	_ =	swait.ge [sflag:s18], $0x4000  }
0x1b8: {  	[sflag:s18] =	ssyncset.done $0x0  }
0x1b9: {  	s26 =	sadd.s32 $0x600, s24;
	[sflag:s18] =	ssyncadd.s32 $0xFFFFC000  }
0x1ba: {  	[spmem:s1] =	stream.indirect.scatter.add.f32 [tilespmem:s19], [sflag:$0x3], $0x80, s26, s16, $0xb8;
	[tilespmem:$0x1F000] =	vst v63  }
0x1bb: {  	_ =	swait.ge [sflag:s20], $0x4000  }
0x1bc: {  	[sflag:s20] =	ssyncset.done $0x0  }
0x1bd: {  	s28 =	rddreg [dreg:$0x11];
	[sflag:s20] =	ssyncadd.s32 $0xFFFFC000  }
0x1be: {  	[tilespmem:s19], [sflag:$0x1] =	stream.indirect.gather [hbm4b:s4+s16], $0x80, s28, s16, $0xb8;
	[tilespmem:$0x1F000] =	vst v63  }
0x1bf: {  	_ =	swait.ge [sflag:s21], $0x4000  }
0x1c0: {  	[sflag:s21] =	ssyncset.done $0x0  }
0x1c1: {  	s29 =	sadd.s32 $0x680, s24;
	[sflag:s21] =	ssyncadd.s32 $0xFFFFC000  }
0x1c2: {  	[spmem:s1] =	stream.indirect.scatter.add.f32 [tilespmem:s17], [sflag:$0x4], $0x80, s29, s16, $0xb8;
	[tilespmem:$0x1F000] =	vst v63  }
0x1c3: {  	_ =	swait.ge [sflag:s22], $0x4000  }
0x1c4: {  	[sflag:s22] =	ssyncset.done $0x0  }
0x1c5: {  	s30 =	rddreg [dreg:$0x12];
	[sflag:s22] =	ssyncadd.s32 $0xFFFFC000  }
0x1c6: {  	[tilespmem:s17], [sflag:$0x2] =	stream.indirect.gather [hbm4b:s4+s16], $0x80, s30, s16, $0xb8;
	[tilespmem:$0x1F000] =	vst v63  }
0x1c7: {  	_ =	swait.ge [sflag:s18], $0x4000  }
0x1c8: {  	[sflag:s18] =	ssyncset.done $0x0  }
0x1c9: {  	s31 =	sadd.s32 $0x700, s24;
	[sflag:s18] =	ssyncadd.s32 $0xFFFFC000  }
0x1ca: {  	[spmem:s1] =	stream.indirect.scatter.add.f32 [tilespmem:s19], [sflag:$0x3], $0x80, s31, s16, $0xb8;
	[tilespmem:$0x1F000] =	vst v63  }
0x1cb: {  	_ =	swait.ge [sflag:s21], $0x4000  }
0x1cc: {  	[sflag:s21] =	ssyncset.done $0x0  }
0x1cd: {  	s24 =	sadd.s32 $0x780, s24;
	[sflag:s21] =	ssyncadd.s32 $0xFFFFC000  }
0x1ce: {  	[spmem:s1] =	stream.indirect.scatter.add.f32 [tilespmem:s17], [sflag:$0x4], $0x80, s24, s16, $0xb8;
	[tilespmem:$0x1F000] =	vst v63  }
0x1cf: {  	_ =	swait.ge [sflag:s20], $0x4000  }
0x1d0: {  	[sflag:s20] =	ssyncset.done $0x0  }
0x1d1: {  	[sflag:s20] =	ssyncadd.s32 $0xFFFFC000  }
0x1d2: {  	_ =	swait.ge [sflag:s22], $0x4000  }
0x1d3: {  	s23 =	sadd.s32 $0x1, s23;
	[sflag:s22] =	ssyncset.done $0x0  }
0x1d4: {  	p0 =	sne.s32 s23, s8;
	[sflag:s22] =	ssyncadd.s32 $0xFFFFC000  }
.Ltmp1:
0x1d5: {  	[bflag:$0x0] =	sbarrier.arrive $0xFFFF;
	(pc) =	sbr.rel @p0 .LBB2_1-.Ltmp1, $4  }
0x1d6: {  	[hbm:s7], [sflag:s10] =	dma.local [spmem:s11], $0x2800  }
0x1d7: {  	_ =	swait.ge [sflag:s9], $0x2800  }
0x1d8: {  	[sflag:s9] =	ssyncset.done $0x0  }
0x1d9: {  	[sflag:s9] =	ssyncadd.s32 $0xFFFFD800  }
0x1da: {  	_ =	sfence.sel $0x180000  }
0x1db: {  	[bflag:$0x0] =	sbarrier.arrive $0xFFFF  }
0x1dc: {  	p0 =	sne.s32 s2, $0x0;
	_ =	strace $0x9000004A  }
0x1dd: {  	s0 =	sadd.s32 @!p0 $0x100000, s0;
	[bflag:$0x2] =	sbarrier.arrive $0xFFFF  }
0x1de: {  	[sflag:s0] =	ssyncadd.tile.s32 @!p0 $0x1;
	_ =	shalt  }
.Lfunc_end2:
_tile_overlayer_lowered:
.L_overlay_start_2:
0x1df: {  	(tag) =	ssettag $0x2  }
0x1e0: {  	s0 =	rddreg [dreg:$0x0];
	s2 =	stileid.u32  }
0x1e1: {  	s1 =	rddreg [dreg:$0x1];
	p0 =	sne.s32 s2, $0x0  }
0x1e2: {  	s3 =	rddreg [dreg:$0x2];
	[bflag:$0x3] =	sbarrier.arrive $0xFFFF;
	s2 =	simm.s32 @!p0 $0x1C05  }
0x1e3: {  	[timem:s3], [sflag:s2] =	dma.local @!p0 [hbm:s0], s1  }
0x1e4: {  	s0 =	simm.s32 @!p0 $0x5  }
0x1e5: {  	_ =	swait.ge @!p0 [sflag:s0], s1  }
0x1e6: {  	s1 =	ssub.s32 @!p0 $0x0, s1;
	[sflag:s0] =	ssyncset.done @!p0 $0x0  }
0x1e7: {  	[sflag:s0] =	ssyncadd.s32 @!p0 s1  }
0x1e8: {  	[bflag:$0x3] =	sbarrier.arrive $0xFFFF  }
0x1e9: {  	_ =	shalt  }

</sc_bundles>
